<compile_context>
chip_gen: v7x
topology: tpu7x:2x2x1
jax: 0.10.2.dev20260603
libtpu: 0.0.44.dev20260713+nightly
codegen_flags: <defaults>
</compile_context>

<pallas_src>
import functools

import jax
import jax.numpy as jnp
from jax import lax
from jax.experimental import pallas as pl
from jax.experimental.pallas import tpu as pltpu
from jax.experimental.pallas import tpu_sc as plsc

N_SPANS = 16384
DIMS = 384
SPAN_DIM = 128
N_DOCS = 150
N_POS = 4098
G_ROWS = 4224
DOC_ROW = N_POS

NW = 32
NS = 16
STAGE_ROWS = G_ROWS // NS
SPANS_PER_W = N_SPANS // NW
CHUNK = 128
NCHUNK = SPANS_PER_W // CHUNK


def _prep_body(doc_id_ref, doc_ref, span_ref, g_ref):
    g_ref[pl.ds(0, N_POS), :] = jnp.tanh(span_ref[...]) * 0.1
    row = doc_ref[pl.ds(doc_id_ref[0], 1), :]
    g_ref[pl.ds(DOC_ROW, 1), :] = jnp.tanh(row) * 0.1
    g_ref[pl.ds(DOC_ROW + 1, G_ROWS - DOC_ROW - 1), :] = jnp.zeros(
        (G_ROWS - DOC_ROW - 1, SPAN_DIM), jnp.float32)


def _prep_table(doc_id_vec, doc_table, span_table):
    return pl.pallas_call(
        _prep_body,
        out_shape=jax.ShapeDtypeStruct((G_ROWS, SPAN_DIM), jnp.float32),
        in_specs=[
            pl.BlockSpec(memory_space=pltpu.SMEM),
            pl.BlockSpec(memory_space=pltpu.VMEM),
            pl.BlockSpec(memory_space=pltpu.VMEM),
        ],
        out_specs=pl.BlockSpec(memory_space=pltpu.VMEM),
    )(doc_id_vec, doc_table, span_table)


def _sc_body(g_hbm, starts_hbm, ends_hbm, out_hbm,
             gsh, sv, ev, di, bufd, bufs0, bufs1, bufe0, bufe1,
             semd, sems0, sems1, seme0, seme1):
    sid = lax.axis_index("s")
    wid = sid * 2 + lax.axis_index("c")
    base = wid * SPANS_PER_W

    stage = pl.ds(sid * STAGE_ROWS, STAGE_ROWS)
    pltpu.sync_copy(g_hbm.at[stage], gsh.at[stage])

    pltpu.sync_copy(starts_hbm.at[pl.ds(base, SPANS_PER_W)], sv)
    pltpu.sync_copy(ends_hbm.at[pl.ds(base, SPANS_PER_W)], ev)

    doc_fill = jnp.full((16,), DOC_ROW, jnp.int32)
    for j in range(CHUNK // 16):
        di[pl.ds(j * 16, 16)] = doc_fill

    plsc.subcore_barrier()
    hd = pltpu.async_copy(gsh.at[di], bufd, semd)

    sbufs = (bufs0, bufs1)
    ebufs = (bufe0, bufe1)
    ssems = (sems0, sems1)
    esems = (seme0, seme1)

    def gather_start(t, b):
        sl = pl.ds(t * CHUNK, CHUNK)
        return (pltpu.async_copy(gsh.at[sv.at[sl]], sbufs[b], ssems[b]),
                pltpu.async_copy(gsh.at[ev.at[sl]], ebufs[b], esems[b]))

    handles = [None] * NCHUNK
    handles[0] = gather_start(0, 0)
    handles[1] = gather_start(1, 1)
    hd.wait()
    for t in range(NCHUNK):
        rows = pl.ds(base + t * CHUNK, CHUNK)
        hs, he = handles[t]
        pltpu.sync_copy(bufd, out_hbm.at[rows, pl.ds(0, SPAN_DIM)])
        hs.wait()
        pltpu.sync_copy(sbufs[t % 2], out_hbm.at[rows, pl.ds(SPAN_DIM, SPAN_DIM)])
        he.wait()
        pltpu.sync_copy(ebufs[t % 2], out_hbm.at[rows, pl.ds(2 * SPAN_DIM, SPAN_DIM)])
        if t + 2 < NCHUNK:
            handles[t + 2] = gather_start(t + 2, t % 2)


def _sc_gather(g, starts, ends):
    mesh = plsc.VectorSubcoreMesh(core_axis_name="c", subcore_axis_name="s")
    kern = functools.partial(
        pl.kernel,
        mesh=mesh,
        out_type=jax.ShapeDtypeStruct((N_SPANS, DIMS), jnp.float32),
        scratch_types=[
            pltpu.VMEM_SHARED((G_ROWS, SPAN_DIM), jnp.float32),
            pltpu.VMEM((SPANS_PER_W,), jnp.int32),
            pltpu.VMEM((SPANS_PER_W,), jnp.int32),
            pltpu.VMEM((CHUNK,), jnp.int32),
            pltpu.VMEM((CHUNK, SPAN_DIM), jnp.float32),
            pltpu.VMEM((CHUNK, SPAN_DIM), jnp.float32),
            pltpu.VMEM((CHUNK, SPAN_DIM), jnp.float32),
            pltpu.VMEM((CHUNK, SPAN_DIM), jnp.float32),
            pltpu.VMEM((CHUNK, SPAN_DIM), jnp.float32),
            pltpu.SemaphoreType.DMA,
            pltpu.SemaphoreType.DMA,
            pltpu.SemaphoreType.DMA,
            pltpu.SemaphoreType.DMA,
            pltpu.SemaphoreType.DMA,
        ],
    )(_sc_body)
    return kern(g, starts, ends)


def kernel(doc_id, span_starts, span_ends, doc_table, span_table):
    doc_id_vec = jnp.reshape(jnp.asarray(doc_id, jnp.int32), (1,))
    g = _prep_table(doc_id_vec, doc_table, span_table)
    return _sc_gather(g,
                      span_starts.astype(jnp.int32),
                      span_ends.astype(jnp.int32))

# --- scband reference (transcript-rebuilt; emitter-appended) ---
"""Pipeline reference for scband-span-embedder-83966610637462 (READ-ONLY COPY).

The authoritative reference and input builder live on the scoring server;
editing this copy changes nothing except your own understanding.
"""

import jax, jax.numpy as jnp
import numpy as np

N_SPANS = 16384
DIMS = 384
SPAN_DIM = DIMS // 3            # 128
DOC_DIM = DIMS - 2 * SPAN_DIM   # 128
N_DOCS = 150
N_POS = 4098


def setup_inputs(seed: int = 0) -> dict:
    key = jax.random.key(seed)
    k1, k2, k3, k4 = jax.random.split(key, 4)
    return {
        "doc_id": 42,  # python int, must be < 150
        "span_starts": jax.random.randint(k1, (N_SPANS,), 0, N_POS),
        "span_ends": jax.random.randint(k2, (N_SPANS,), 0, N_POS),
        "doc_table": jax.random.normal(k3, (N_DOCS, DOC_DIM), dtype=jnp.float32) * 0.02,
        "span_table": jax.random.normal(k4, (N_POS, SPAN_DIM), dtype=jnp.float32) * 0.02,
    }


def reference(doc_id, span_starts, span_ends, doc_table, span_table):
    # start/end position embeddings: gathers from the span table
    start_emb = jnp.take(span_table, span_starts, axis=0)   # [N, SPAN_DIM]
    end_emb = jnp.take(span_table, span_ends, axis=0)       # [N, SPAN_DIM]
    # document embedding looked up once and repeated for every span
    # (torch: torch.cat([self.document_embeddings(doc_id)] * start_emb.size(0)))
    d_row = jnp.take(doc_table, jnp.asarray([doc_id], dtype=jnp.int32), axis=0)  # [1, DOC_DIM]
    d_emb = jnp.broadcast_to(d_row, (start_emb.shape[0], doc_table.shape[1]))     # [N, DOC_DIM]
    out = jnp.tanh(jnp.concatenate([d_emb, start_emb, end_emb], axis=1)) * 0.1    # [N, DIMS]
    return out

if __name__ == "__main__":
    import jax
    _d = setup_inputs()
    print(jax.jit(kernel)(*tuple(_d.values())))

</pallas_src>

<mosaic_0001>
#map = affine_map<(d0, d1) -> (0, 0)>
#map1 = affine_map<(d0, d1) -> (0)>
module attributes {stable_mosaic.version = 14 : i64} {
  func.func @_sc_body(%arg0: i32, %arg1: i32, %arg2: memref<4224x128xf32, #tpu.memory_space<hbm>>, %arg3: memref<16384xi32, #tpu.memory_space<hbm>>, %arg4: memref<16384xi32, #tpu.memory_space<hbm>>, %arg5: memref<16384x384xf32, #tpu.memory_space<hbm>>, %arg6: memref<4224x128xf32, #tpu.memory_space<vmem_shared>>, %arg7: memref<512xi32, #tpu.memory_space<vmem>>, %arg8: memref<512xi32, #tpu.memory_space<vmem>>, %arg9: memref<128xi32, #tpu.memory_space<vmem>>, %arg10: memref<128x128xf32, #tpu.memory_space<vmem>>, %arg11: memref<128x128xf32, #tpu.memory_space<vmem>>, %arg12: memref<128x128xf32, #tpu.memory_space<vmem>>, %arg13: memref<128x128xf32, #tpu.memory_space<vmem>>, %arg14: memref<128x128xf32, #tpu.memory_space<vmem>>, %arg15: memref<!tpu.dma_semaphore, #tpu.memory_space<semaphore_mem>>, %arg16: memref<!tpu.dma_semaphore, #tpu.memory_space<semaphore_mem>>, %arg17: memref<!tpu.dma_semaphore, #tpu.memory_space<semaphore_mem>>, %arg18: memref<!tpu.dma_semaphore, #tpu.memory_space<semaphore_mem>>, %arg19: memref<!tpu.dma_semaphore, #tpu.memory_space<semaphore_mem>>) attributes {dimension_semantics = [#tpu.dimension_semantics<core_parallel>, #tpu.dimension_semantics<subcore_parallel>], iteration_bounds = array<i64: 2, 16>, scalar_prefetch = 0 : i64, scratch_operands = 14 : i64, tpu.core_type = #tpu.core_type<sc_vector_subcore>, window_params = [{transform_indices = #map}, {transform_indices = #map1}, {transform_indices = #map1}, {transform_indices = #map}]} {
    %mul3A = arith.constant 2 : i32
    %mul3A_0 = arith.muli %arg1, %mul3A : i32
    %add3A = arith.addi %mul3A_0, %arg0 : i32
    %mul3A_1 = arith.constant 512 : i32
    %mul3A_2 = arith.muli %add3A, %mul3A_1 : i32
    %mul3A_3 = arith.constant 264 : i32
    %mul3A_4 = arith.muli %arg1, %mul3A_3 : i32
    "tpu.region"() ({
      %run_scoped3A = tpu.sem_alloc : memref<!tpu.dma_semaphore, #tpu.memory_space<semaphore_mem>>
      %dma_start3A_129 = arith.constant 0 : i32
      %dma_start3A_130 = tpu.memref_slice %arg6[%mul3A_4, %dma_start3A_129] : memref<4224x128xf32, #tpu.memory_space<vmem_shared>> -> memref<264x128xf32, #tpu.memory_space<vmem_shared>>
      %dma_start3A_131 = arith.constant 0 : i32
      %dma_start3A_132 = tpu.memref_slice %arg2[%mul3A_4, %dma_start3A_131] : memref<4224x128xf32, #tpu.memory_space<hbm>> -> memref<264x128xf32, #tpu.memory_space<hbm>>
      tpu.enqueue_dma source(%dma_start3A_132 : memref<264x128xf32, #tpu.memory_space<hbm>>) target(%dma_start3A_130 : memref<264x128xf32, #tpu.memory_space<vmem_shared>>) target_semaphore(%run_scoped3A : memref<!tpu.dma_semaphore, #tpu.memory_space<semaphore_mem>>)
      %dma_wait3A_133 = arith.constant 0 : i32
      %dma_wait3A_134 = tpu.memref_slice %arg6[%mul3A_4, %dma_wait3A_133] : memref<4224x128xf32, #tpu.memory_space<vmem_shared>> -> memref<264x128xf32, #tpu.memory_space<vmem_shared>>
      %dma_wait3A_135 = arith.constant 0 : i32
      %dma_wait3A_136 = tpu.memref_slice %arg2[%mul3A_4, %dma_wait3A_135] : memref<4224x128xf32, #tpu.memory_space<hbm>> -> memref<264x128xf32, #tpu.memory_space<hbm>>
      tpu.wait_dma2 semaphore(%run_scoped3A : memref<!tpu.dma_semaphore, #tpu.memory_space<semaphore_mem>>) src(%dma_wait3A_136 : memref<264x128xf32, #tpu.memory_space<hbm>>) dst(%dma_wait3A_134 : memref<264x128xf32, #tpu.memory_space<vmem_shared>>)
      tpu.yield
    }) : () -> ()
    "tpu.region"() ({
      %run_scoped3A = tpu.sem_alloc : memref<!tpu.dma_semaphore, #tpu.memory_space<semaphore_mem>>
      %dma_start3A_129 = tpu.memref_slice %arg3[%mul3A_2] : memref<16384xi32, #tpu.memory_space<hbm>> -> memref<512xi32, #tpu.memory_space<hbm>>
      %dma_start3A_130 = tpu.memref_slice %arg3[%mul3A_2] : memref<16384xi32, #tpu.memory_space<hbm>> -> memref<512xi32, #tpu.memory_space<hbm>>
      tpu.enqueue_dma source(%dma_start3A_130 : memref<512xi32, #tpu.memory_space<hbm>>) target(%arg7 : memref<512xi32, #tpu.memory_space<vmem>>) target_semaphore(%run_scoped3A : memref<!tpu.dma_semaphore, #tpu.memory_space<semaphore_mem>>)
      %dma_wait3A_131 = tpu.memref_slice %arg3[%mul3A_2] : memref<16384xi32, #tpu.memory_space<hbm>> -> memref<512xi32, #tpu.memory_space<hbm>>
      %dma_wait3A_132 = tpu.memref_slice %arg3[%mul3A_2] : memref<16384xi32, #tpu.memory_space<hbm>> -> memref<512xi32, #tpu.memory_space<hbm>>
      tpu.wait_dma2 semaphore(%run_scoped3A : memref<!tpu.dma_semaphore, #tpu.memory_space<semaphore_mem>>) src(%dma_wait3A_132 : memref<512xi32, #tpu.memory_space<hbm>>) dst(%arg7 : memref<512xi32, #tpu.memory_space<vmem>>)
      tpu.yield
    }) : () -> ()
    "tpu.region"() ({
      %run_scoped3A = tpu.sem_alloc : memref<!tpu.dma_semaphore, #tpu.memory_space<semaphore_mem>>
      %dma_start3A_129 = tpu.memref_slice %arg4[%mul3A_2] : memref<16384xi32, #tpu.memory_space<hbm>> -> memref<512xi32, #tpu.memory_space<hbm>>
      %dma_start3A_130 = tpu.memref_slice %arg4[%mul3A_2] : memref<16384xi32, #tpu.memory_space<hbm>> -> memref<512xi32, #tpu.memory_space<hbm>>
      tpu.enqueue_dma source(%dma_start3A_130 : memref<512xi32, #tpu.memory_space<hbm>>) target(%arg8 : memref<512xi32, #tpu.memory_space<vmem>>) target_semaphore(%run_scoped3A : memref<!tpu.dma_semaphore, #tpu.memory_space<semaphore_mem>>)
      %dma_wait3A_131 = tpu.memref_slice %arg4[%mul3A_2] : memref<16384xi32, #tpu.memory_space<hbm>> -> memref<512xi32, #tpu.memory_space<hbm>>
      %dma_wait3A_132 = tpu.memref_slice %arg4[%mul3A_2] : memref<16384xi32, #tpu.memory_space<hbm>> -> memref<512xi32, #tpu.memory_space<hbm>>
      tpu.wait_dma2 semaphore(%run_scoped3A : memref<!tpu.dma_semaphore, #tpu.memory_space<semaphore_mem>>) src(%dma_wait3A_132 : memref<512xi32, #tpu.memory_space<hbm>>) dst(%arg8 : memref<512xi32, #tpu.memory_space<vmem>>)
      tpu.yield
    }) : () -> ()
    %broadcast_in_dim3A = arith.constant 4098 : i32
    %broadcast_in_dim3A_5 = vector.broadcast %broadcast_in_dim3A : i32 to vector<16xi32>
    %swap3A = arith.constant 0 : index
    %swap3A_6 = tpu.vector_load %arg9[%swap3A] {strides = array<i32>} : memref<128xi32, #tpu.memory_space<vmem>>, vector<16xi32>,
    %swap3A_7 = vector.shape_cast %swap3A_6 : vector<16xi32> to vector<16xi32>
    %swap3A_8 = vector.shape_cast %broadcast_in_dim3A_5 : vector<16xi32> to vector<16xi32>
    tpu.vector_store %arg9[%swap3A], %swap3A_8 {strides = array<i32>} : memref<128xi32, #tpu.memory_space<vmem>>, vector<16xi32>,
    %swap3A_9 = arith.constant 16 : index
    %swap3A_10 = tpu.vector_load %arg9[%swap3A_9] {strides = array<i32>} : memref<128xi32, #tpu.memory_space<vmem>>, vector<16xi32>,
    %swap3A_11 = vector.shape_cast %swap3A_10 : vector<16xi32> to vector<16xi32>
    %swap3A_12 = vector.shape_cast %broadcast_in_dim3A_5 : vector<16xi32> to vector<16xi32>
    tpu.vector_store %arg9[%swap3A_9], %swap3A_12 {strides = array<i32>} : memref<128xi32, #tpu.memory_space<vmem>>, vector<16xi32>,
    %swap3A_13 = arith.constant 32 : index
    %swap3A_14 = tpu.vector_load %arg9[%swap3A_13] {strides = array<i32>} : memref<128xi32, #tpu.memory_space<vmem>>, vector<16xi32>,
    %swap3A_15 = vector.shape_cast %swap3A_14 : vector<16xi32> to vector<16xi32>
    %swap3A_16 = vector.shape_cast %broadcast_in_dim3A_5 : vector<16xi32> to vector<16xi32>
    tpu.vector_store %arg9[%swap3A_13], %swap3A_16 {strides = array<i32>} : memref<128xi32, #tpu.memory_space<vmem>>, vector<16xi32>,
    %swap3A_17 = arith.constant 48 : index
    %swap3A_18 = tpu.vector_load %arg9[%swap3A_17] {strides = array<i32>} : memref<128xi32, #tpu.memory_space<vmem>>, vector<16xi32>,
    %swap3A_19 = vector.shape_cast %swap3A_18 : vector<16xi32> to vector<16xi32>
    %swap3A_20 = vector.shape_cast %broadcast_in_dim3A_5 : vector<16xi32> to vector<16xi32>
    tpu.vector_store %arg9[%swap3A_17], %swap3A_20 {strides = array<i32>} : memref<128xi32, #tpu.memory_space<vmem>>, vector<16xi32>,
    %swap3A_21 = arith.constant 64 : index
    %swap3A_22 = tpu.vector_load %arg9[%swap3A_21] {strides = array<i32>} : memref<128xi32, #tpu.memory_space<vmem>>, vector<16xi32>,
    %swap3A_23 = vector.shape_cast %swap3A_22 : vector<16xi32> to vector<16xi32>
    %swap3A_24 = vector.shape_cast %broadcast_in_dim3A_5 : vector<16xi32> to vector<16xi32>
    tpu.vector_store %arg9[%swap3A_21], %swap3A_24 {strides = array<i32>} : memref<128xi32, #tpu.memory_space<vmem>>, vector<16xi32>,
    %swap3A_25 = arith.constant 80 : index
    %swap3A_26 = tpu.vector_load %arg9[%swap3A_25] {strides = array<i32>} : memref<128xi32, #tpu.memory_space<vmem>>, vector<16xi32>,
    %swap3A_27 = vector.shape_cast %swap3A_26 : vector<16xi32> to vector<16xi32>
    %swap3A_28 = vector.shape_cast %broadcast_in_dim3A_5 : vector<16xi32> to vector<16xi32>
    tpu.vector_store %arg9[%swap3A_25], %swap3A_28 {strides = array<i32>} : memref<128xi32, #tpu.memory_space<vmem>>, vector<16xi32>,
    %swap3A_29 = arith.constant 96 : index
    %swap3A_30 = tpu.vector_load %arg9[%swap3A_29] {strides = array<i32>} : memref<128xi32, #tpu.memory_space<vmem>>, vector<16xi32>,
    %swap3A_31 = vector.shape_cast %swap3A_30 : vector<16xi32> to vector<16xi32>
    %swap3A_32 = vector.shape_cast %broadcast_in_dim3A_5 : vector<16xi32> to vector<16xi32>
    tpu.vector_store %arg9[%swap3A_29], %swap3A_32 {strides = array<i32>} : memref<128xi32, #tpu.memory_space<vmem>>, vector<16xi32>,
    %swap3A_33 = arith.constant 112 : index
    %swap3A_34 = tpu.vector_load %arg9[%swap3A_33] {strides = array<i32>} : memref<128xi32, #tpu.memory_space<vmem>>, vector<16xi32>,
    %swap3A_35 = vector.shape_cast %swap3A_34 : vector<16xi32> to vector<16xi32>
    %swap3A_36 = vector.shape_cast %broadcast_in_dim3A_5 : vector<16xi32> to vector<16xi32>
    tpu.vector_store %arg9[%swap3A_33], %swap3A_36 {strides = array<i32>} : memref<128xi32, #tpu.memory_space<vmem>>, vector<16xi32>,
    %barrier3A = arith.constant 0 : index
    tpu.barrier barrier_id(%barrier3A)
    %dma_start3A = arith.constant 0 : i32
    %dma_start3A_37 = arith.constant 0 : i32
    %dma_start3A_38 = tpu.memref_slice %arg6[%dma_start3A, %dma_start3A_37] : memref<4224x128xf32, #tpu.memory_space<vmem_shared>> -> memref<4224x128xf32, #tpu.memory_space<vmem_shared>>
    tpu.enqueue_indirect_dma source(%dma_start3A_38 : memref<4224x128xf32, #tpu.memory_space<vmem_shared>>) target(%arg10 : memref<128x128xf32, #tpu.memory_space<vmem>>) offsets(%arg9 : memref<128xi32, #tpu.memory_space<vmem>>) semaphore(%arg15 : memref<!tpu.dma_semaphore, #tpu.memory_space<semaphore_mem>>)
    %dma_start3A_39 = arith.constant 0 : i32
    %dma_start3A_40 = tpu.memref_slice %arg7[%dma_start3A_39] : memref<512xi32, #tpu.memory_space<vmem>> -> memref<128xi32, #tpu.memory_space<vmem>>
    %dma_start3A_41 = arith.constant 0 : i32
    %dma_start3A_42 = arith.constant 0 : i32
    %dma_start3A_43 = tpu.memref_slice %arg6[%dma_start3A_41, %dma_start3A_42] : memref<4224x128xf32, #tpu.memory_space<vmem_shared>> -> memref<4224x128xf32, #tpu.memory_space<vmem_shared>>
    tpu.enqueue_indirect_dma source(%dma_start3A_43 : memref<4224x128xf32, #tpu.memory_space<vmem_shared>>) target(%arg11 : memref<128x128xf32, #tpu.memory_space<vmem>>) offsets(%dma_start3A_40 : memref<128xi32, #tpu.memory_space<vmem>>) semaphore(%arg16 : memref<!tpu.dma_semaphore, #tpu.memory_space<semaphore_mem>>)
    %dma_start3A_44 = arith.constant 0 : i32
    %dma_start3A_45 = tpu.memref_slice %arg8[%dma_start3A_44] : memref<512xi32, #tpu.memory_space<vmem>> -> memref<128xi32, #tpu.memory_space<vmem>>
    %dma_start3A_46 = arith.constant 0 : i32
    %dma_start3A_47 = arith.constant 0 : i32
    %dma_start3A_48 = tpu.memref_slice %arg6[%dma_start3A_46, %dma_start3A_47] : memref<4224x128xf32, #tpu.memory_space<vmem_shared>> -> memref<4224x128xf32, #tpu.memory_space<vmem_shared>>
    tpu.enqueue_indirect_dma source(%dma_start3A_48 : memref<4224x128xf32, #tpu.memory_space<vmem_shared>>) target(%arg13 : memref<128x128xf32, #tpu.memory_space<vmem>>) offsets(%dma_start3A_45 : memref<128xi32, #tpu.memory_space<vmem>>) semaphore(%arg18 : memref<!tpu.dma_semaphore, #tpu.memory_space<semaphore_mem>>)
    %dma_start3A_49 = arith.constant 128 : i32
    %dma_start3A_50 = tpu.memref_slice %arg7[%dma_start3A_49] : memref<512xi32, #tpu.memory_space<vmem>> -> memref<128xi32, #tpu.memory_space<vmem>>
    %dma_start3A_51 = arith.constant 0 : i32
    %dma_start3A_52 = arith.constant 0 : i32
    %dma_start3A_53 = tpu.memref_slice %arg6[%dma_start3A_51, %dma_start3A_52] : memref<4224x128xf32, #tpu.memory_space<vmem_shared>> -> memref<4224x128xf32, #tpu.memory_space<vmem_shared>>
    tpu.enqueue_indirect_dma source(%dma_start3A_53 : memref<4224x128xf32, #tpu.memory_space<vmem_shared>>) target(%arg12 : memref<128x128xf32, #tpu.memory_space<vmem>>) offsets(%dma_start3A_50 : memref<128xi32, #tpu.memory_space<vmem>>) semaphore(%arg17 : memref<!tpu.dma_semaphore, #tpu.memory_space<semaphore_mem>>)
    %dma_start3A_54 = arith.constant 128 : i32
    %dma_start3A_55 = tpu.memref_slice %arg8[%dma_start3A_54] : memref<512xi32, #tpu.memory_space<vmem>> -> memref<128xi32, #tpu.memory_space<vmem>>
    %dma_start3A_56 = arith.constant 0 : i32
    %dma_start3A_57 = arith.constant 0 : i32
    %dma_start3A_58 = tpu.memref_slice %arg6[%dma_start3A_56, %dma_start3A_57] : memref<4224x128xf32, #tpu.memory_space<vmem_shared>> -> memref<4224x128xf32, #tpu.memory_space<vmem_shared>>
    tpu.enqueue_indirect_dma source(%dma_start3A_58 : memref<4224x128xf32, #tpu.memory_space<vmem_shared>>) target(%arg14 : memref<128x128xf32, #tpu.memory_space<vmem>>) offsets(%dma_start3A_55 : memref<128xi32, #tpu.memory_space<vmem>>) semaphore(%arg19 : memref<!tpu.dma_semaphore, #tpu.memory_space<semaphore_mem>>)
    %dma_wait3A = arith.constant 0 : i32
    %dma_wait3A_59 = arith.constant 0 : i32
    %dma_wait3A_60 = tpu.memref_slice %arg6[%dma_wait3A, %dma_wait3A_59] : memref<4224x128xf32, #tpu.memory_space<vmem_shared>> -> memref<4224x128xf32, #tpu.memory_space<vmem_shared>>
    tpu.wait_indirect_dma semaphore(%arg15 : memref<!tpu.dma_semaphore, #tpu.memory_space<semaphore_mem>>) src(%dma_wait3A_60 : memref<4224x128xf32, #tpu.memory_space<vmem_shared>>) dst(%arg10 : memref<128x128xf32, #tpu.memory_space<vmem>>)
    %add3A_61 = arith.constant 0 : i32
    %add3A_62 = arith.addi %mul3A_2, %add3A_61 : i32
    "tpu.region"() ({
      %run_scoped3A = tpu.sem_alloc : memref<!tpu.dma_semaphore, #tpu.memory_space<semaphore_mem>>
      %dma_start3A_129 = arith.constant 0 : i32
      %dma_start3A_130 = tpu.memref_slice %arg5[%add3A_62, %dma_start3A_129] : memref<16384x384xf32, #tpu.memory_space<hbm>> -> memref<128x128xf32, #tpu.memory_space<hbm>>
      %dma_start3A_131 = arith.constant 0 : i32
      %dma_start3A_132 = tpu.memref_slice %arg5[%add3A_62, %dma_start3A_131] : memref<16384x384xf32, #tpu.memory_space<hbm>> -> memref<128x128xf32, #tpu.memory_space<hbm>>
      tpu.enqueue_dma source(%arg10 : memref<128x128xf32, #tpu.memory_space<vmem>>) target(%dma_start3A_132 : memref<128x128xf32, #tpu.memory_space<hbm>>) target_semaphore(%run_scoped3A : memref<!tpu.dma_semaphore, #tpu.memory_space<semaphore_mem>>)
      %dma_wait3A_133 = arith.constant 0 : i32
      %dma_wait3A_134 = tpu.memref_slice %arg5[%add3A_62, %dma_wait3A_133] : memref<16384x384xf32, #tpu.memory_space<hbm>> -> memref<128x128xf32, #tpu.memory_space<hbm>>
      %dma_wait3A_135 = arith.constant 0 : i32
      %dma_wait3A_136 = tpu.memref_slice %arg5[%add3A_62, %dma_wait3A_135] : memref<16384x384xf32, #tpu.memory_space<hbm>> -> memref<128x128xf32, #tpu.memory_space<hbm>>
      tpu.wait_dma2 semaphore(%run_scoped3A : memref<!tpu.dma_semaphore, #tpu.memory_space<semaphore_mem>>) src(%arg10 : memref<128x128xf32, #tpu.memory_space<vmem>>) dst(%dma_wait3A_136 : memref<128x128xf32, #tpu.memory_space<hbm>>)
      tpu.yield
    }) : () -> ()
    %dma_wait3A_63 = arith.constant 0 : i32
    %dma_wait3A_64 = tpu.memref_slice %arg7[%dma_wait3A_63] : memref<512xi32, #tpu.memory_space<vmem>> -> memref<128xi32, #tpu.memory_space<vmem>>
    %dma_wait3A_65 = arith.constant 0 : i32
    %dma_wait3A_66 = arith.constant 0 : i32
    %dma_wait3A_67 = tpu.memref_slice %arg6[%dma_wait3A_65, %dma_wait3A_66] : memref<4224x128xf32, #tpu.memory_space<vmem_shared>> -> memref<4224x128xf32, #tpu.memory_space<vmem_shared>>
    tpu.wait_indirect_dma semaphore(%arg16 : memref<!tpu.dma_semaphore, #tpu.memory_space<semaphore_mem>>) src(%dma_wait3A_67 : memref<4224x128xf32, #tpu.memory_space<vmem_shared>>) dst(%arg11 : memref<128x128xf32, #tpu.memory_space<vmem>>)
    "tpu.region"() ({
      %run_scoped3A = tpu.sem_alloc : memref<!tpu.dma_semaphore, #tpu.memory_space<semaphore_mem>>
      %dma_start3A_129 = arith.constant 128 : i32
      %dma_start3A_130 = tpu.memref_slice %arg5[%add3A_62, %dma_start3A_129] : memref<16384x384xf32, #tpu.memory_space<hbm>> -> memref<128x128xf32, #tpu.memory_space<hbm>>
      %dma_start3A_131 = arith.constant 128 : i32
      %dma_start3A_132 = tpu.memref_slice %arg5[%add3A_62, %dma_start3A_131] : memref<16384x384xf32, #tpu.memory_space<hbm>> -> memref<128x128xf32, #tpu.memory_space<hbm>>
      tpu.enqueue_dma source(%arg11 : memref<128x128xf32, #tpu.memory_space<vmem>>) target(%dma_start3A_132 : memref<128x128xf32, #tpu.memory_space<hbm>>) target_semaphore(%run_scoped3A : memref<!tpu.dma_semaphore, #tpu.memory_space<semaphore_mem>>)
      %dma_wait3A_133 = arith.constant 128 : i32
      %dma_wait3A_134 = tpu.memref_slice %arg5[%add3A_62, %dma_wait3A_133] : memref<16384x384xf32, #tpu.memory_space<hbm>> -> memref<128x128xf32, #tpu.memory_space<hbm>>
      %dma_wait3A_135 = arith.constant 128 : i32
      %dma_wait3A_136 = tpu.memref_slice %arg5[%add3A_62, %dma_wait3A_135] : memref<16384x384xf32, #tpu.memory_space<hbm>> -> memref<128x128xf32, #tpu.memory_space<hbm>>
      tpu.wait_dma2 semaphore(%run_scoped3A : memref<!tpu.dma_semaphore, #tpu.memory_space<semaphore_mem>>) src(%arg11 : memref<128x128xf32, #tpu.memory_space<vmem>>) dst(%dma_wait3A_136 : memref<128x128xf32, #tpu.memory_space<hbm>>)
      tpu.yield
    }) : () -> ()
    %dma_wait3A_68 = arith.constant 0 : i32
    %dma_wait3A_69 = tpu.memref_slice %arg8[%dma_wait3A_68] : memref<512xi32, #tpu.memory_space<vmem>> -> memref<128xi32, #tpu.memory_space<vmem>>
    %dma_wait3A_70 = arith.constant 0 : i32
    %dma_wait3A_71 = arith.constant 0 : i32
    %dma_wait3A_72 = tpu.memref_slice %arg6[%dma_wait3A_70, %dma_wait3A_71] : memref<4224x128xf32, #tpu.memory_space<vmem_shared>> -> memref<4224x128xf32, #tpu.memory_space<vmem_shared>>
    tpu.wait_indirect_dma semaphore(%arg18 : memref<!tpu.dma_semaphore, #tpu.memory_space<semaphore_mem>>) src(%dma_wait3A_72 : memref<4224x128xf32, #tpu.memory_space<vmem_shared>>) dst(%arg13 : memref<128x128xf32, #tpu.memory_space<vmem>>)
    "tpu.region"() ({
      %run_scoped3A = tpu.sem_alloc : memref<!tpu.dma_semaphore, #tpu.memory_space<semaphore_mem>>
      %dma_start3A_129 = arith.constant 256 : i32
      %dma_start3A_130 = tpu.memref_slice %arg5[%add3A_62, %dma_start3A_129] : memref<16384x384xf32, #tpu.memory_space<hbm>> -> memref<128x128xf32, #tpu.memory_space<hbm>>
      %dma_start3A_131 = arith.constant 256 : i32
      %dma_start3A_132 = tpu.memref_slice %arg5[%add3A_62, %dma_start3A_131] : memref<16384x384xf32, #tpu.memory_space<hbm>> -> memref<128x128xf32, #tpu.memory_space<hbm>>
      tpu.enqueue_dma source(%arg13 : memref<128x128xf32, #tpu.memory_space<vmem>>) target(%dma_start3A_132 : memref<128x128xf32, #tpu.memory_space<hbm>>) target_semaphore(%run_scoped3A : memref<!tpu.dma_semaphore, #tpu.memory_space<semaphore_mem>>)
      %dma_wait3A_133 = arith.constant 256 : i32
      %dma_wait3A_134 = tpu.memref_slice %arg5[%add3A_62, %dma_wait3A_133] : memref<16384x384xf32, #tpu.memory_space<hbm>> -> memref<128x128xf32, #tpu.memory_space<hbm>>
      %dma_wait3A_135 = arith.constant 256 : i32
      %dma_wait3A_136 = tpu.memref_slice %arg5[%add3A_62, %dma_wait3A_135] : memref<16384x384xf32, #tpu.memory_space<hbm>> -> memref<128x128xf32, #tpu.memory_space<hbm>>
      tpu.wait_dma2 semaphore(%run_scoped3A : memref<!tpu.dma_semaphore, #tpu.memory_space<semaphore_mem>>) src(%arg13 : memref<128x128xf32, #tpu.memory_space<vmem>>) dst(%dma_wait3A_136 : memref<128x128xf32, #tpu.memory_space<hbm>>)
      tpu.yield
    }) : () -> ()
    %dma_start3A_73 = arith.constant 256 : i32
    %dma_start3A_74 = tpu.memref_slice %arg7[%dma_start3A_73] : memref<512xi32, #tpu.memory_space<vmem>> -> memref<128xi32, #tpu.memory_space<vmem>>
    %dma_start3A_75 = arith.constant 0 : i32
    %dma_start3A_76 = arith.constant 0 : i32
    %dma_start3A_77 = tpu.memref_slice %arg6[%dma_start3A_75, %dma_start3A_76] : memref<4224x128xf32, #tpu.memory_space<vmem_shared>> -> memref<4224x128xf32, #tpu.memory_space<vmem_shared>>
    tpu.enqueue_indirect_dma source(%dma_start3A_77 : memref<4224x128xf32, #tpu.memory_space<vmem_shared>>) target(%arg11 : memref<128x128xf32, #tpu.memory_space<vmem>>) offsets(%dma_start3A_74 : memref<128xi32, #tpu.memory_space<vmem>>) semaphore(%arg16 : memref<!tpu.dma_semaphore, #tpu.memory_space<semaphore_mem>>)
    %dma_start3A_78 = arith.constant 256 : i32
    %dma_start3A_79 = tpu.memref_slice %arg8[%dma_start3A_78] : memref<512xi32, #tpu.memory_space<vmem>> -> memref<128xi32, #tpu.memory_space<vmem>>
    %dma_start3A_80 = arith.constant 0 : i32
    %dma_start3A_81 = arith.constant 0 : i32
    %dma_start3A_82 = tpu.memref_slice %arg6[%dma_start3A_80, %dma_start3A_81] : memref<4224x128xf32, #tpu.memory_space<vmem_shared>> -> memref<4224x128xf32, #tpu.memory_space<vmem_shared>>
    tpu.enqueue_indirect_dma source(%dma_start3A_82 : memref<4224x128xf32, #tpu.memory_space<vmem_shared>>) target(%arg13 : memref<128x128xf32, #tpu.memory_space<vmem>>) offsets(%dma_start3A_79 : memref<128xi32, #tpu.memory_space<vmem>>) semaphore(%arg18 : memref<!tpu.dma_semaphore, #tpu.memory_space<semaphore_mem>>)
    %add3A_83 = arith.constant 128 : i32
    %add3A_84 = arith.addi %mul3A_2, %add3A_83 : i32
    "tpu.region"() ({
      %run_scoped3A = tpu.sem_alloc : memref<!tpu.dma_semaphore, #tpu.memory_space<semaphore_mem>>
      %dma_start3A_129 = arith.constant 0 : i32
      %dma_start3A_130 = tpu.memref_slice %arg5[%add3A_84, %dma_start3A_129] : memref<16384x384xf32, #tpu.memory_space<hbm>> -> memref<128x128xf32, #tpu.memory_space<hbm>>
      %dma_start3A_131 = arith.constant 0 : i32
      %dma_start3A_132 = tpu.memref_slice %arg5[%add3A_84, %dma_start3A_131] : memref<16384x384xf32, #tpu.memory_space<hbm>> -> memref<128x128xf32, #tpu.memory_space<hbm>>
      tpu.enqueue_dma source(%arg10 : memref<128x128xf32, #tpu.memory_space<vmem>>) target(%dma_start3A_132 : memref<128x128xf32, #tpu.memory_space<hbm>>) target_semaphore(%run_scoped3A : memref<!tpu.dma_semaphore, #tpu.memory_space<semaphore_mem>>)
      %dma_wait3A_133 = arith.constant 0 : i32
      %dma_wait3A_134 = tpu.memref_slice %arg5[%add3A_84, %dma_wait3A_133] : memref<16384x384xf32, #tpu.memory_space<hbm>> -> memref<128x128xf32, #tpu.memory_space<hbm>>
      %dma_wait3A_135 = arith.constant 0 : i32
      %dma_wait3A_136 = tpu.memref_slice %arg5[%add3A_84, %dma_wait3A_135] : memref<16384x384xf32, #tpu.memory_space<hbm>> -> memref<128x128xf32, #tpu.memory_space<hbm>>
      tpu.wait_dma2 semaphore(%run_scoped3A : memref<!tpu.dma_semaphore, #tpu.memory_space<semaphore_mem>>) src(%arg10 : memref<128x128xf32, #tpu.memory_space<vmem>>) dst(%dma_wait3A_136 : memref<128x128xf32, #tpu.memory_space<hbm>>)
      tpu.yield
    }) : () -> ()
    %dma_wait3A_85 = arith.constant 128 : i32
    %dma_wait3A_86 = tpu.memref_slice %arg7[%dma_wait3A_85] : memref<512xi32, #tpu.memory_space<vmem>> -> memref<128xi32, #tpu.memory_space<vmem>>
    %dma_wait3A_87 = arith.constant 0 : i32
    %dma_wait3A_88 = arith.constant 0 : i32
    %dma_wait3A_89 = tpu.memref_slice %arg6[%dma_wait3A_87, %dma_wait3A_88] : memref<4224x128xf32, #tpu.memory_space<vmem_shared>> -> memref<4224x128xf32, #tpu.memory_space<vmem_shared>>
    tpu.wait_indirect_dma semaphore(%arg17 : memref<!tpu.dma_semaphore, #tpu.memory_space<semaphore_mem>>) src(%dma_wait3A_89 : memref<4224x128xf32, #tpu.memory_space<vmem_shared>>) dst(%arg12 : memref<128x128xf32, #tpu.memory_space<vmem>>)
    "tpu.region"() ({
      %run_scoped3A = tpu.sem_alloc : memref<!tpu.dma_semaphore, #tpu.memory_space<semaphore_mem>>
      %dma_start3A_129 = arith.constant 128 : i32
      %dma_start3A_130 = tpu.memref_slice %arg5[%add3A_84, %dma_start3A_129] : memref<16384x384xf32, #tpu.memory_space<hbm>> -> memref<128x128xf32, #tpu.memory_space<hbm>>
      %dma_start3A_131 = arith.constant 128 : i32
      %dma_start3A_132 = tpu.memref_slice %arg5[%add3A_84, %dma_start3A_131] : memref<16384x384xf32, #tpu.memory_space<hbm>> -> memref<128x128xf32, #tpu.memory_space<hbm>>
      tpu.enqueue_dma source(%arg12 : memref<128x128xf32, #tpu.memory_space<vmem>>) target(%dma_start3A_132 : memref<128x128xf32, #tpu.memory_space<hbm>>) target_semaphore(%run_scoped3A : memref<!tpu.dma_semaphore, #tpu.memory_space<semaphore_mem>>)
      %dma_wait3A_133 = arith.constant 128 : i32
      %dma_wait3A_134 = tpu.memref_slice %arg5[%add3A_84, %dma_wait3A_133] : memref<16384x384xf32, #tpu.memory_space<hbm>> -> memref<128x128xf32, #tpu.memory_space<hbm>>
      %dma_wait3A_135 = arith.constant 128 : i32
      %dma_wait3A_136 = tpu.memref_slice %arg5[%add3A_84, %dma_wait3A_135] : memref<16384x384xf32, #tpu.memory_space<hbm>> -> memref<128x128xf32, #tpu.memory_space<hbm>>
      tpu.wait_dma2 semaphore(%run_scoped3A : memref<!tpu.dma_semaphore, #tpu.memory_space<semaphore_mem>>) src(%arg12 : memref<128x128xf32, #tpu.memory_space<vmem>>) dst(%dma_wait3A_136 : memref<128x128xf32, #tpu.memory_space<hbm>>)
      tpu.yield
    }) : () -> ()
    %dma_wait3A_90 = arith.constant 128 : i32
    %dma_wait3A_91 = tpu.memref_slice %arg8[%dma_wait3A_90] : memref<512xi32, #tpu.memory_space<vmem>> -> memref<128xi32, #tpu.memory_space<vmem>>
    %dma_wait3A_92 = arith.constant 0 : i32
    %dma_wait3A_93 = arith.constant 0 : i32
    %dma_wait3A_94 = tpu.memref_slice %arg6[%dma_wait3A_92, %dma_wait3A_93] : memref<4224x128xf32, #tpu.memory_space<vmem_shared>> -> memref<4224x128xf32, #tpu.memory_space<vmem_shared>>
    tpu.wait_indirect_dma semaphore(%arg19 : memref<!tpu.dma_semaphore, #tpu.memory_space<semaphore_mem>>) src(%dma_wait3A_94 : memref<4224x128xf32, #tpu.memory_space<vmem_shared>>) dst(%arg14 : memref<128x128xf32, #tpu.memory_space<vmem>>)
    "tpu.region"() ({
      %run_scoped3A = tpu.sem_alloc : memref<!tpu.dma_semaphore, #tpu.memory_space<semaphore_mem>>
      %dma_start3A_129 = arith.constant 256 : i32
      %dma_start3A_130 = tpu.memref_slice %arg5[%add3A_84, %dma_start3A_129] : memref<16384x384xf32, #tpu.memory_space<hbm>> -> memref<128x128xf32, #tpu.memory_space<hbm>>
      %dma_start3A_131 = arith.constant 256 : i32
      %dma_start3A_132 = tpu.memref_slice %arg5[%add3A_84, %dma_start3A_131] : memref<16384x384xf32, #tpu.memory_space<hbm>> -> memref<128x128xf32, #tpu.memory_space<hbm>>
      tpu.enqueue_dma source(%arg14 : memref<128x128xf32, #tpu.memory_space<vmem>>) target(%dma_start3A_132 : memref<128x128xf32, #tpu.memory_space<hbm>>) target_semaphore(%run_scoped3A : memref<!tpu.dma_semaphore, #tpu.memory_space<semaphore_mem>>)
      %dma_wait3A_133 = arith.constant 256 : i32
      %dma_wait3A_134 = tpu.memref_slice %arg5[%add3A_84, %dma_wait3A_133] : memref<16384x384xf32, #tpu.memory_space<hbm>> -> memref<128x128xf32, #tpu.memory_space<hbm>>
      %dma_wait3A_135 = arith.constant 256 : i32
      %dma_wait3A_136 = tpu.memref_slice %arg5[%add3A_84, %dma_wait3A_135] : memref<16384x384xf32, #tpu.memory_space<hbm>> -> memref<128x128xf32, #tpu.memory_space<hbm>>
      tpu.wait_dma2 semaphore(%run_scoped3A : memref<!tpu.dma_semaphore, #tpu.memory_space<semaphore_mem>>) src(%arg14 : memref<128x128xf32, #tpu.memory_space<vmem>>) dst(%dma_wait3A_136 : memref<128x128xf32, #tpu.memory_space<hbm>>)
      tpu.yield
    }) : () -> ()
    %dma_start3A_95 = arith.constant 384 : i32
    %dma_start3A_96 = tpu.memref_slice %arg7[%dma_start3A_95] : memref<512xi32, #tpu.memory_space<vmem>> -> memref<128xi32, #tpu.memory_space<vmem>>
    %dma_start3A_97 = arith.constant 0 : i32
    %dma_start3A_98 = arith.constant 0 : i32
    %dma_start3A_99 = tpu.memref_slice %arg6[%dma_start3A_97, %dma_start3A_98] : memref<4224x128xf32, #tpu.memory_space<vmem_shared>> -> memref<4224x128xf32, #tpu.memory_space<vmem_shared>>
    tpu.enqueue_indirect_dma source(%dma_start3A_99 : memref<4224x128xf32, #tpu.memory_space<vmem_shared>>) target(%arg12 : memref<128x128xf32, #tpu.memory_space<vmem>>) offsets(%dma_start3A_96 : memref<128xi32, #tpu.memory_space<vmem>>) semaphore(%arg17 : memref<!tpu.dma_semaphore, #tpu.memory_space<semaphore_mem>>)
    %dma_start3A_100 = arith.constant 384 : i32
    %dma_start3A_101 = tpu.memref_slice %arg8[%dma_start3A_100] : memref<512xi32, #tpu.memory_space<vmem>> -> memref<128xi32, #tpu.memory_space<vmem>>
    %dma_start3A_102 = arith.constant 0 : i32
    %dma_start3A_103 = arith.constant 0 : i32
    %dma_start3A_104 = tpu.memref_slice %arg6[%dma_start3A_102, %dma_start3A_103] : memref<4224x128xf32, #tpu.memory_space<vmem_shared>> -> memref<4224x128xf32, #tpu.memory_space<vmem_shared>>
    tpu.enqueue_indirect_dma source(%dma_start3A_104 : memref<4224x128xf32, #tpu.memory_space<vmem_shared>>) target(%arg14 : memref<128x128xf32, #tpu.memory_space<vmem>>) offsets(%dma_start3A_101 : memref<128xi32, #tpu.memory_space<vmem>>) semaphore(%arg19 : memref<!tpu.dma_semaphore, #tpu.memory_space<semaphore_mem>>)
    %add3A_105 = arith.constant 256 : i32
    %add3A_106 = arith.addi %mul3A_2, %add3A_105 : i32
    "tpu.region"() ({
      %run_scoped3A = tpu.sem_alloc : memref<!tpu.dma_semaphore, #tpu.memory_space<semaphore_mem>>
      %dma_start3A_129 = arith.constant 0 : i32
      %dma_start3A_130 = tpu.memref_slice %arg5[%add3A_106, %dma_start3A_129] : memref<16384x384xf32, #tpu.memory_space<hbm>> -> memref<128x128xf32, #tpu.memory_space<hbm>>
      %dma_start3A_131 = arith.constant 0 : i32
      %dma_start3A_132 = tpu.memref_slice %arg5[%add3A_106, %dma_start3A_131] : memref<16384x384xf32, #tpu.memory_space<hbm>> -> memref<128x128xf32, #tpu.memory_space<hbm>>
      tpu.enqueue_dma source(%arg10 : memref<128x128xf32, #tpu.memory_space<vmem>>) target(%dma_start3A_132 : memref<128x128xf32, #tpu.memory_space<hbm>>) target_semaphore(%run_scoped3A : memref<!tpu.dma_semaphore, #tpu.memory_space<semaphore_mem>>)
      %dma_wait3A_133 = arith.constant 0 : i32
      %dma_wait3A_134 = tpu.memref_slice %arg5[%add3A_106, %dma_wait3A_133] : memref<16384x384xf32, #tpu.memory_space<hbm>> -> memref<128x128xf32, #tpu.memory_space<hbm>>
      %dma_wait3A_135 = arith.constant 0 : i32
      %dma_wait3A_136 = tpu.memref_slice %arg5[%add3A_106, %dma_wait3A_135] : memref<16384x384xf32, #tpu.memory_space<hbm>> -> memref<128x128xf32, #tpu.memory_space<hbm>>
      tpu.wait_dma2 semaphore(%run_scoped3A : memref<!tpu.dma_semaphore, #tpu.memory_space<semaphore_mem>>) src(%arg10 : memref<128x128xf32, #tpu.memory_space<vmem>>) dst(%dma_wait3A_136 : memref<128x128xf32, #tpu.memory_space<hbm>>)
      tpu.yield
    }) : () -> ()
    %dma_wait3A_107 = arith.constant 256 : i32
    %dma_wait3A_108 = tpu.memref_slice %arg7[%dma_wait3A_107] : memref<512xi32, #tpu.memory_space<vmem>> -> memref<128xi32, #tpu.memory_space<vmem>>
    %dma_wait3A_109 = arith.constant 0 : i32
    %dma_wait3A_110 = arith.constant 0 : i32
    %dma_wait3A_111 = tpu.memref_slice %arg6[%dma_wait3A_109, %dma_wait3A_110] : memref<4224x128xf32, #tpu.memory_space<vmem_shared>> -> memref<4224x128xf32, #tpu.memory_space<vmem_shared>>
    tpu.wait_indirect_dma semaphore(%arg16 : memref<!tpu.dma_semaphore, #tpu.memory_space<semaphore_mem>>) src(%dma_wait3A_111 : memref<4224x128xf32, #tpu.memory_space<vmem_shared>>) dst(%arg11 : memref<128x128xf32, #tpu.memory_space<vmem>>)
    "tpu.region"() ({
      %run_scoped3A = tpu.sem_alloc : memref<!tpu.dma_semaphore, #tpu.memory_space<semaphore_mem>>
      %dma_start3A_129 = arith.constant 128 : i32
      %dma_start3A_130 = tpu.memref_slice %arg5[%add3A_106, %dma_start3A_129] : memref<16384x384xf32, #tpu.memory_space<hbm>> -> memref<128x128xf32, #tpu.memory_space<hbm>>
      %dma_start3A_131 = arith.constant 128 : i32
      %dma_start3A_132 = tpu.memref_slice %arg5[%add3A_106, %dma_start3A_131] : memref<16384x384xf32, #tpu.memory_space<hbm>> -> memref<128x128xf32, #tpu.memory_space<hbm>>
      tpu.enqueue_dma source(%arg11 : memref<128x128xf32, #tpu.memory_space<vmem>>) target(%dma_start3A_132 : memref<128x128xf32, #tpu.memory_space<hbm>>) target_semaphore(%run_scoped3A : memref<!tpu.dma_semaphore, #tpu.memory_space<semaphore_mem>>)
      %dma_wait3A_133 = arith.constant 128 : i32
      %dma_wait3A_134 = tpu.memref_slice %arg5[%add3A_106, %dma_wait3A_133] : memref<16384x384xf32, #tpu.memory_space<hbm>> -> memref<128x128xf32, #tpu.memory_space<hbm>>
      %dma_wait3A_135 = arith.constant 128 : i32
      %dma_wait3A_136 = tpu.memref_slice %arg5[%add3A_106, %dma_wait3A_135] : memref<16384x384xf32, #tpu.memory_space<hbm>> -> memref<128x128xf32, #tpu.memory_space<hbm>>
      tpu.wait_dma2 semaphore(%run_scoped3A : memref<!tpu.dma_semaphore, #tpu.memory_space<semaphore_mem>>) src(%arg11 : memref<128x128xf32, #tpu.memory_space<vmem>>) dst(%dma_wait3A_136 : memref<128x128xf32, #tpu.memory_space<hbm>>)
      tpu.yield
    }) : () -> ()
    %dma_wait3A_112 = arith.constant 256 : i32
    %dma_wait3A_113 = tpu.memref_slice %arg8[%dma_wait3A_112] : memref<512xi32, #tpu.memory_space<vmem>> -> memref<128xi32, #tpu.memory_space<vmem>>
    %dma_wait3A_114 = arith.constant 0 : i32
    %dma_wait3A_115 = arith.constant 0 : i32
    %dma_wait3A_116 = tpu.memref_slice %arg6[%dma_wait3A_114, %dma_wait3A_115] : memref<4224x128xf32, #tpu.memory_space<vmem_shared>> -> memref<4224x128xf32, #tpu.memory_space<vmem_shared>>
    tpu.wait_indirect_dma semaphore(%arg18 : memref<!tpu.dma_semaphore, #tpu.memory_space<semaphore_mem>>) src(%dma_wait3A_116 : memref<4224x128xf32, #tpu.memory_space<vmem_shared>>) dst(%arg13 : memref<128x128xf32, #tpu.memory_space<vmem>>)
    "tpu.region"() ({
      %run_scoped3A = tpu.sem_alloc : memref<!tpu.dma_semaphore, #tpu.memory_space<semaphore_mem>>
      %dma_start3A_129 = arith.constant 256 : i32
      %dma_start3A_130 = tpu.memref_slice %arg5[%add3A_106, %dma_start3A_129] : memref<16384x384xf32, #tpu.memory_space<hbm>> -> memref<128x128xf32, #tpu.memory_space<hbm>>
      %dma_start3A_131 = arith.constant 256 : i32
      %dma_start3A_132 = tpu.memref_slice %arg5[%add3A_106, %dma_start3A_131] : memref<16384x384xf32, #tpu.memory_space<hbm>> -> memref<128x128xf32, #tpu.memory_space<hbm>>
      tpu.enqueue_dma source(%arg13 : memref<128x128xf32, #tpu.memory_space<vmem>>) target(%dma_start3A_132 : memref<128x128xf32, #tpu.memory_space<hbm>>) target_semaphore(%run_scoped3A : memref<!tpu.dma_semaphore, #tpu.memory_space<semaphore_mem>>)
      %dma_wait3A_133 = arith.constant 256 : i32
      %dma_wait3A_134 = tpu.memref_slice %arg5[%add3A_106, %dma_wait3A_133] : memref<16384x384xf32, #tpu.memory_space<hbm>> -> memref<128x128xf32, #tpu.memory_space<hbm>>
      %dma_wait3A_135 = arith.constant 256 : i32
      %dma_wait3A_136 = tpu.memref_slice %arg5[%add3A_106, %dma_wait3A_135] : memref<16384x384xf32, #tpu.memory_space<hbm>> -> memref<128x128xf32, #tpu.memory_space<hbm>>
      tpu.wait_dma2 semaphore(%run_scoped3A : memref<!tpu.dma_semaphore, #tpu.memory_space<semaphore_mem>>) src(%arg13 : memref<128x128xf32, #tpu.memory_space<vmem>>) dst(%dma_wait3A_136 : memref<128x128xf32, #tpu.memory_space<hbm>>)
      tpu.yield
    }) : () -> ()
    %add3A_117 = arith.constant 384 : i32
    %add3A_118 = arith.addi %mul3A_2, %add3A_117 : i32
    "tpu.region"() ({
      %run_scoped3A = tpu.sem_alloc : memref<!tpu.dma_semaphore, #tpu.memory_space<semaphore_mem>>
      %dma_start3A_129 = arith.constant 0 : i32
      %dma_start3A_130 = tpu.memref_slice %arg5[%add3A_118, %dma_start3A_129] : memref<16384x384xf32, #tpu.memory_space<hbm>> -> memref<128x128xf32, #tpu.memory_space<hbm>>
      %dma_start3A_131 = arith.constant 0 : i32
      %dma_start3A_132 = tpu.memref_slice %arg5[%add3A_118, %dma_start3A_131] : memref<16384x384xf32, #tpu.memory_space<hbm>> -> memref<128x128xf32, #tpu.memory_space<hbm>>
      tpu.enqueue_dma source(%arg10 : memref<128x128xf32, #tpu.memory_space<vmem>>) target(%dma_start3A_132 : memref<128x128xf32, #tpu.memory_space<hbm>>) target_semaphore(%run_scoped3A : memref<!tpu.dma_semaphore, #tpu.memory_space<semaphore_mem>>)
      %dma_wait3A_133 = arith.constant 0 : i32
      %dma_wait3A_134 = tpu.memref_slice %arg5[%add3A_118, %dma_wait3A_133] : memref<16384x384xf32, #tpu.memory_space<hbm>> -> memref<128x128xf32, #tpu.memory_space<hbm>>
      %dma_wait3A_135 = arith.constant 0 : i32
      %dma_wait3A_136 = tpu.memref_slice %arg5[%add3A_118, %dma_wait3A_135] : memref<16384x384xf32, #tpu.memory_space<hbm>> -> memref<128x128xf32, #tpu.memory_space<hbm>>
      tpu.wait_dma2 semaphore(%run_scoped3A : memref<!tpu.dma_semaphore, #tpu.memory_space<semaphore_mem>>) src(%arg10 : memref<128x128xf32, #tpu.memory_space<vmem>>) dst(%dma_wait3A_136 : memref<128x128xf32, #tpu.memory_space<hbm>>)
      tpu.yield
    }) : () -> ()
    %dma_wait3A_119 = arith.constant 384 : i32
    %dma_wait3A_120 = tpu.memref_slice %arg7[%dma_wait3A_119] : memref<512xi32, #tpu.memory_space<vmem>> -> memref<128xi32, #tpu.memory_space<vmem>>
    %dma_wait3A_121 = arith.constant 0 : i32
    %dma_wait3A_122 = arith.constant 0 : i32
    %dma_wait3A_123 = tpu.memref_slice %arg6[%dma_wait3A_121, %dma_wait3A_122] : memref<4224x128xf32, #tpu.memory_space<vmem_shared>> -> memref<4224x128xf32, #tpu.memory_space<vmem_shared>>
    tpu.wait_indirect_dma semaphore(%arg17 : memref<!tpu.dma_semaphore, #tpu.memory_space<semaphore_mem>>) src(%dma_wait3A_123 : memref<4224x128xf32, #tpu.memory_space<vmem_shared>>) dst(%arg12 : memref<128x128xf32, #tpu.memory_space<vmem>>)
    "tpu.region"() ({
      %run_scoped3A = tpu.sem_alloc : memref<!tpu.dma_semaphore, #tpu.memory_space<semaphore_mem>>
      %dma_start3A_129 = arith.constant 128 : i32
      %dma_start3A_130 = tpu.memref_slice %arg5[%add3A_118, %dma_start3A_129] : memref<16384x384xf32, #tpu.memory_space<hbm>> -> memref<128x128xf32, #tpu.memory_space<hbm>>
      %dma_start3A_131 = arith.constant 128 : i32
      %dma_start3A_132 = tpu.memref_slice %arg5[%add3A_118, %dma_start3A_131] : memref<16384x384xf32, #tpu.memory_space<hbm>> -> memref<128x128xf32, #tpu.memory_space<hbm>>
      tpu.enqueue_dma source(%arg12 : memref<128x128xf32, #tpu.memory_space<vmem>>) target(%dma_start3A_132 : memref<128x128xf32, #tpu.memory_space<hbm>>) target_semaphore(%run_scoped3A : memref<!tpu.dma_semaphore, #tpu.memory_space<semaphore_mem>>)
      %dma_wait3A_133 = arith.constant 128 : i32
      %dma_wait3A_134 = tpu.memref_slice %arg5[%add3A_118, %dma_wait3A_133] : memref<16384x384xf32, #tpu.memory_space<hbm>> -> memref<128x128xf32, #tpu.memory_space<hbm>>
      %dma_wait3A_135 = arith.constant 128 : i32
      %dma_wait3A_136 = tpu.memref_slice %arg5[%add3A_118, %dma_wait3A_135] : memref<16384x384xf32, #tpu.memory_space<hbm>> -> memref<128x128xf32, #tpu.memory_space<hbm>>
      tpu.wait_dma2 semaphore(%run_scoped3A : memref<!tpu.dma_semaphore, #tpu.memory_space<semaphore_mem>>) src(%arg12 : memref<128x128xf32, #tpu.memory_space<vmem>>) dst(%dma_wait3A_136 : memref<128x128xf32, #tpu.memory_space<hbm>>)
      tpu.yield
    }) : () -> ()
    %dma_wait3A_124 = arith.constant 384 : i32
    %dma_wait3A_125 = tpu.memref_slice %arg8[%dma_wait3A_124] : memref<512xi32, #tpu.memory_space<vmem>> -> memref<128xi32, #tpu.memory_space<vmem>>
    %dma_wait3A_126 = arith.constant 0 : i32
    %dma_wait3A_127 = arith.constant 0 : i32
    %dma_wait3A_128 = tpu.memref_slice %arg6[%dma_wait3A_126, %dma_wait3A_127] : memref<4224x128xf32, #tpu.memory_space<vmem_shared>> -> memref<4224x128xf32, #tpu.memory_space<vmem_shared>>
    tpu.wait_indirect_dma semaphore(%arg19 : memref<!tpu.dma_semaphore, #tpu.memory_space<semaphore_mem>>) src(%dma_wait3A_128 : memref<4224x128xf32, #tpu.memory_space<vmem_shared>>) dst(%arg14 : memref<128x128xf32, #tpu.memory_space<vmem>>)
    "tpu.region"() ({
      %run_scoped3A = tpu.sem_alloc : memref<!tpu.dma_semaphore, #tpu.memory_space<semaphore_mem>>
      %dma_start3A_129 = arith.constant 256 : i32
      %dma_start3A_130 = tpu.memref_slice %arg5[%add3A_118, %dma_start3A_129] : memref<16384x384xf32, #tpu.memory_space<hbm>> -> memref<128x128xf32, #tpu.memory_space<hbm>>
      %dma_start3A_131 = arith.constant 256 : i32
      %dma_start3A_132 = tpu.memref_slice %arg5[%add3A_118, %dma_start3A_131] : memref<16384x384xf32, #tpu.memory_space<hbm>> -> memref<128x128xf32, #tpu.memory_space<hbm>>
      tpu.enqueue_dma source(%arg14 : memref<128x128xf32, #tpu.memory_space<vmem>>) target(%dma_start3A_132 : memref<128x128xf32, #tpu.memory_space<hbm>>) target_semaphore(%run_scoped3A : memref<!tpu.dma_semaphore, #tpu.memory_space<semaphore_mem>>)
      %dma_wait3A_133 = arith.constant 256 : i32
      %dma_wait3A_134 = tpu.memref_slice %arg5[%add3A_118, %dma_wait3A_133] : memref<16384x384xf32, #tpu.memory_space<hbm>> -> memref<128x128xf32, #tpu.memory_space<hbm>>
      %dma_wait3A_135 = arith.constant 256 : i32
      %dma_wait3A_136 = tpu.memref_slice %arg5[%add3A_118, %dma_wait3A_135] : memref<16384x384xf32, #tpu.memory_space<hbm>> -> memref<128x128xf32, #tpu.memory_space<hbm>>
      tpu.wait_dma2 semaphore(%run_scoped3A : memref<!tpu.dma_semaphore, #tpu.memory_space<semaphore_mem>>) src(%arg14 : memref<128x128xf32, #tpu.memory_space<vmem>>) dst(%dma_wait3A_136 : memref<128x128xf32, #tpu.memory_space<hbm>>)
      tpu.yield
    }) : () -> ()
    return
  }
}

module attributes {stable_mosaic.version = 14 : i64} {
  func.func @_prep_body(%arg0: memref<1xi32, #tpu.memory_space<smem>>, %arg1: memref<150x128xf32, #tpu.memory_space<vmem>>, %arg2: memref<4098x128xf32, #tpu.memory_space<vmem>>, %arg3: memref<4224x128xf32, #tpu.memory_space<vmem>>) attributes {dimension_semantics = [], scalar_prefetch = 0 : i64, scratch_operands = 0 : i64, tpu.core_type = #tpu.core_type<tc>} {
    %get3A = arith.constant 0 : index
    %get3A_0 = arith.constant 0 : index
    %get3A_1 = vector.load %arg2[%get3A, %get3A_0] : memref<4098x128xf32, #tpu.memory_space<vmem>>, vector<4098x128xf32>
    %tanh3A = math.tanh %get3A_1 : vector<4098x128xf32>
    %mul3A = arith.constant 1.000000e-01 : f32
    %mul3A_2 = vector.broadcast %mul3A : f32 to vector<4098x128xf32>
    %mul3A_3 = arith.mulf %tanh3A, %mul3A_2 : vector<4098x128xf32>
    %swap3A = arith.constant 0 : index
    %swap3A_4 = arith.constant 0 : index
    %swap3A_5 = vector.load %arg3[%swap3A, %swap3A_4] : memref<4224x128xf32, #tpu.memory_space<vmem>>, vector<4098x128xf32>
    tpu.vector_store %arg3[%swap3A, %swap3A_4], %mul3A_3 {strides = array<i32>} : memref<4224x128xf32, #tpu.memory_space<vmem>>, vector<4098x128xf32>,
    %get3A_6 = arith.constant 0 : index
    %get3A_7 = memref.load %arg0[%get3A_6] : memref<1xi32, #tpu.memory_space<smem>>
    %get3A_8 = arith.index_cast %get3A_7 : i32 to index
    %get3A_9 = arith.constant 0 : index
    %get3A_10 = vector.load %arg1[%get3A_8, %get3A_9] : memref<150x128xf32, #tpu.memory_space<vmem>>, vector<1x128xf32>
    %tanh3A_11 = math.tanh %get3A_10 : vector<1x128xf32>
    %mul3A_12 = arith.constant 1.000000e-01 : f32
    %mul3A_13 = vector.broadcast %mul3A_12 : f32 to vector<1x128xf32>
    %mul3A_14 = arith.mulf %tanh3A_11, %mul3A_13 : vector<1x128xf32>
    %swap3A_15 = arith.constant 4098 : index
    %swap3A_16 = arith.constant 0 : index
    %swap3A_17 = vector.load %arg3[%swap3A_15, %swap3A_16] : memref<4224x128xf32, #tpu.memory_space<vmem>>, vector<1x128xf32>
    tpu.vector_store %arg3[%swap3A_15, %swap3A_16], %mul3A_14 {strides = array<i32>} : memref<4224x128xf32, #tpu.memory_space<vmem>>, vector<1x128xf32>,
    %broadcast_in_dim3A = arith.constant 0.000000e+00 : f32
    %broadcast_in_dim3A_18 = vector.broadcast %broadcast_in_dim3A : f32 to vector<125x128xf32>
    %swap3A_19 = arith.constant 4099 : index
    %swap3A_20 = arith.constant 0 : index
    %swap3A_21 = vector.load %arg3[%swap3A_19, %swap3A_20] : memref<4224x128xf32, #tpu.memory_space<vmem>>, vector<125x128xf32>
    tpu.vector_store %arg3[%swap3A_19, %swap3A_20], %broadcast_in_dim3A_18 {strides = array<i32>} : memref<4224x128xf32, #tpu.memory_space<vmem>>, vector<125x128xf32>,
    return
  }
}

</mosaic_0001>

<sc_bundles>
// kernel: kernel.4.cloned.1.call-start
scs
__scs_entry_jumppad:
0x0: {  	(pc) =	sbr.rel $0x88, $3  }
0x1: {  	(tag) =	ssettag $0x0;
	lr =	simm.s32 $0x1  }
0x2: {  	[smem:$0x3F9C] =	sst lr;
	_ =	strace $0xD0000000  }
0x3: {  	_ = 	snop  }
0x4: {  	_ = 	snop  }
0x5: {  	_ = 	snop  }
0x6: {  	_ = 	snop  }
0x7: {  	_ = 	snop  }
__scs_overlays_trampoline_lowered:
0x8: {  	[smem:$0x3FAB] =	sst s0  }
0x9: {  	[smem:$0x3FAC] =	sst s1  }
0xa: {  	[smem:$0x3FAD] =	sst s2  }
0xb: {  	[smem:$0x3FAE] =	sst s3  }
0xc: {  	[smem:$0x3FAF] =	sst s4  }
0xd: {  	[smem:$0x3FB0] =	sst s5  }
0xe: {  	[smem:$0x3FB1] =	sst s6  }
0xf: {  	[smem:$0x3FB2] =	sst s7  }
0x10: {  	[smem:$0x3FB3] =	sst s8  }
0x11: {  	[smem:$0x3FB4] =	sst s9;
	s0 =	simm.s32 @!p0 $0x0  }
0x12: {  	s1 =	sld [smem:$0x3F9A];
	s0 =	simm.s32 @p0 $0x1  }
0x13: {  	[smem:$0x3FB5] =	sst s0;
	s0 =	simm.s32 @!p1 $0x0  }
0x14: {  	s2 =	sld [smem:$0x3F99];
	s0 =	simm.s32 @p1 $0x1  }
0x15: {  	[smem:$0x3FB6] =	sst s0;
	s0 =	simm.s32 @!p2 $0x0  }
0x16: {  	s3 =	sld [smem:$0x3FDB];
	s0 =	simm.s32 @p2 $0x1  }
0x17: {  	s4 =	simm.s32 $0x1BF5;
	[smem:$0x3FB8] =	sst s0  }
0x18: {  	s0 =	sld [smem:$0x3F9B];
	_ =	swait.ge [sflag:s4], $0x0  }
0x19: {  	s7 =	sld [smem:$0x3F9C]  }
0x1a: {  	s8 =	sadd.s32 $0xFFFFE003, lr  }
0x1b: {  	s9 =	sadd.s32 $0xFFFFFEF7, lr;
	s5 =	simm.s32 $0xFFFFFFFF;
	p2 =	slt.u32 s8, $0xFFFFF086  }
0x1c: {  	p1 =	slt.u32 s9, $0xF7A;
	s5 =	simm.s32 @!p2 $0x0  }
0x1d: {  	s5 =	simm.s32 @p1 $0x1;
	p0 =	seq.s32 s7, s2  }
0x1e: {  	s7 =	smul.u32 @!p0 $0xF7A, s2;
	p2 =	seq.s32 @!p0 s5, $0x0  }
0x1f: {  	s9 =	smul.u32 $0xF7A, s1;
	s8 =	simm.s32 @!p0 $0x1BF5;
	p2 =	por !p2, p0  }
0x20: {  	[sflag:s8] =	ssyncset.s32 @!p0 $0xFFFFF086;
	s6 =	sadd.s32 @!p0 s3, s7;
	s7 =	simm.s32 @!p0 $0x108  }
0x21: {  	s3 =	sadd.s32 s3, s9;
	s6 =	sadd.s32 @!p0 $0x88, s6;
	s7 =	simm.s32 @p2 $0x1082  }
0x22: {  	[simem:s7], [sflag:s8] =	dma.local @!p0 [hbm:s6], $0xF7A  }
0x23: {  	s9 =	sor.u32 $0xD0000000, s2;
	s6 =	simm.s32 $0x108;
	_ =	swait.ge @!p0 [sflag:s8], $0x0  }
0x24: {  	s3 =	sadd.s32 $0x88, s3;
	s6 =	simm.s32 @!p1 $0x1082;
	[sflag:s4] =	ssyncset.s32 $0xFFFFF086  }
0x25: {  	[simem:s6], [sflag:s4] =	dma.local [hbm:s3], $0xF7A  }
0x26: {  	[smem:$0x3F9C] =	sst s1;
	(tag) =	ssettag s2;
	_ =	strace s9  }
0x27: {  	s1 =	sld [smem:$0x3FAC]  }
0x28: {  	s2 =	sld [smem:$0x3FAD]  }
0x29: {  	s4 =	sld [smem:$0x3FAF]  }
0x2a: {  	p0 =	seq.s32 s5, $0x0;
	s5 =	sld [smem:$0x3FB0]  }
0x2b: {  	s6 =	sld [smem:$0x3FB1]  }
0x2c: {  	s7 =	sld [smem:$0x3FB2]  }
0x2d: {  	s3 =	simm.s32 $0x108;
	s8 =	sld [smem:$0x3FB3]  }
0x2e: {  	s3 =	simm.s32 @!p0 $0x1082;
	s9 =	sld [smem:$0x3FB4]  }
0x2f: {  	lr =	sadd.s32 s0, s3;
	s0 =	sld [smem:$0x3FAB]  }
0x30: {  	s3 =	sld [smem:$0x3FAE]  }
0x31: {  	[smem:$0x3FB7] =	sst s10  }
0x32: {  	s10 =	sld [smem:$0x3FB5];
	_ =	sdelay $0x3  }
0x33: {  	p0 =	seq.s32 s10, $0x1;
	s10 =	sld [smem:$0x3FB7];
	_ =	sdelay $0x3  }
0x34: {  	[smem:$0x3FB7] =	sst s10  }
0x35: {  	s10 =	sld [smem:$0x3FB6];
	_ =	sdelay $0x3  }
0x36: {  	p1 =	seq.s32 s10, $0x1;
	s10 =	sld [smem:$0x3FB7];
	_ =	sdelay $0x3  }
0x37: {  	[smem:$0x3FB7] =	sst s10  }
0x38: {  	s10 =	sld [smem:$0x3FB8]  }
0x39: {  	_ = 	snop;
	(pc) =	sbr.ind lr, $3  }
0x3a: {  	_ = 	snop  }
0x3b: {  	_ = 	snop  }
0x3c: {  	p2 =	seq.s32 s10, $0x1;
	s10 =	sld [smem:$0x3FB7]  }
0x3d: {  	_ =	shalt  }
0x3e: {  	_ =	shalt  }
0x3f: {  	_ =	shalt  }
0x40: {  	_ =	shalt  }
0x41: {  	_ =	shalt  }
0x42: {  	_ =	shalt  }
0x43: {  	_ =	shalt  }
0x44: {  	_ =	shalt  }
0x45: {  	_ =	shalt  }
0x46: {  	_ =	shalt  }
0x47: {  	_ =	shalt  }
0x48: {  	_ =	shalt  }
0x49: {  	_ =	shalt  }
0x4a: {  	_ =	shalt  }
0x4b: {  	_ =	shalt  }
0x4c: {  	_ =	shalt  }
0x4d: {  	_ =	shalt  }
0x4e: {  	_ =	shalt  }
0x4f: {  	_ =	shalt  }
0x50: {  	_ =	shalt  }
0x51: {  	_ =	shalt  }
0x52: {  	_ =	shalt  }
0x53: {  	_ =	shalt  }
0x54: {  	_ =	shalt  }
0x55: {  	_ =	shalt  }
0x56: {  	_ =	shalt  }
0x57: {  	_ =	shalt  }
0x58: {  	_ =	shalt  }
0x59: {  	_ =	shalt  }
0x5a: {  	_ =	shalt  }
0x5b: {  	_ =	shalt  }
0x5c: {  	_ =	shalt  }
0x5d: {  	_ =	shalt  }
0x5e: {  	_ =	shalt  }
0x5f: {  	_ =	shalt  }
0x60: {  	_ =	shalt  }
0x61: {  	_ =	shalt  }
0x62: {  	_ =	shalt  }
0x63: {  	_ =	shalt  }
0x64: {  	_ =	shalt  }
0x65: {  	_ =	shalt  }
0x66: {  	_ =	shalt  }
0x67: {  	_ =	shalt  }
0x68: {  	_ =	shalt  }
0x69: {  	_ =	shalt  }
0x6a: {  	_ =	shalt  }
0x6b: {  	_ =	shalt  }
0x6c: {  	_ =	shalt  }
0x6d: {  	_ =	shalt  }
0x6e: {  	_ =	shalt  }
0x6f: {  	_ =	shalt  }
0x70: {  	_ =	shalt  }
0x71: {  	_ =	shalt  }
0x72: {  	_ =	shalt  }
0x73: {  	_ =	shalt  }
0x74: {  	_ =	shalt  }
0x75: {  	_ =	shalt  }
0x76: {  	_ =	shalt  }
0x77: {  	_ =	shalt  }
0x78: {  	_ =	shalt  }
0x79: {  	_ =	shalt  }
0x7a: {  	_ =	shalt  }
0x7b: {  	_ =	shalt  }
0x7c: {  	_ =	shalt  }
0x7d: {  	_ =	shalt  }
0x7e: {  	_ =	shalt  }
0x7f: {  	_ =	shalt  }
0x80: {  	_ =	shalt  }
0x81: {  	_ =	shalt  }
0x82: {  	_ =	shalt  }
0x83: {  	_ =	shalt  }
0x84: {  	_ =	shalt  }
0x85: {  	_ =	shalt  }
0x86: {  	_ =	shalt  }
0x87: {  	_ =	shalt  }
.Lfunc_end0:
.L_simem_size_0:
called_computation_lowered:
.L_overlay_start_0:
0x88: {  	s2 =	sld [smem:$0x3FD9]  }
0x89: {  	s3 =	sld [smem:$0x3FFE];
	_ =	sdelay $0x1  }
0x8a: {  	s1 =	srdreg.scid  }
0x8b: {  	s0 =	sand.u32 $0x1, s1  }
0x8c: {  	s17 =	sshll.u32 s0, $0xA;
	s2 =	sadd.s32 s3, s2  }
0x8d: {  	s2 =	sadd.s32 s2, s17  }
0x8e: {  	[smem:$0x3FC3] =	sst s2  }
0x8f: {  	_ = 	snop  }
0x90: {  	s2 =	sld [smem:$0x3FC8]  }
0x91: {  	s18 =	sld [smem:$0x3FC7]  }
0x92: {  	s4 =	sld [smem:$0x3FD0];
	(tm) =	ssettm $0x1  }
0x93: {  	s5 =	sld [smem:$0x3FFB];
	_ =	sdelay $0x3  }
0x94: {  	_ =	strace s5  }
0x95: {  	s5 =	sld [smem:$0x3FFC];
	_ =	sdelay $0x3  }
0x96: {  	_ =	strace s5  }
0x97: {  	s5 =	sld [smem:$0x3FFD];
	_ =	sdelay $0x3  }
0x98: {  	_ =	strace s5  }
0x99: {  	_ =	strace $0x8FFFFFFF  }
0x9a: {  	s19 =	sld [smem:$0x3FDB];
	_ =	sdelay $0x1  }
0x9b: {  	s6 =	simm.s32 $_scs_section_size  }
0x9c: {  	s7 =	simm.s32 $_size__tile_overlayer_lowered;
	s8 =	simm.s32 $_tile_overlayer_lowered  }
0x9d: {  	s22 =	simm.s32 $0x1BFF;
	s21 =	sshll.u32 s8, $0x1;
	s5 =	sadd.s32 s6, s19  }
0x9e: {  	s9 =	simm.s32 $0x0;
	s20 =	sshll.u32 s7, $0x1;
	s7 =	sadd.s32 s21, s5  }
0x9f: {  	[timem:s9], [sflag:s22] =	dma.local [hbm:s7], s20  }
0xa0: {  	_ =	swait.ge [sflag:s22], s20  }
0xa1: {  	s6 =	ssub.s32 $0x0, s20;
	[sflag:s22] =	ssyncset.done $0x0  }
0xa2: {  	[sflag:s22] =	ssyncadd.s32 s6;
	_ =	sdelay $0x1  }
0xa3: {  	s23 =	simm.s32 $0x1B8B  }
0xa4: {  	_ =	swait.ge [sflag:s23], $0x1  }
0xa5: {  	[sflag:s23] =	ssyncset.done $0x0  }
0xa6: {  	s25 =	simm.s32 $0x1B8E;
	s24 =	sld [smem:$0x3FFE];
	[sflag:s23] =	ssyncadd.s32 $0xFFFFFFFF  }
0xa7: {  	s26 =	simm.s32 $execute0_lowered;
	[smem:$0x3FD2] =	sst s25  }
0xa8: {  	s7 =	sshll.u32 s26, $0x1;
	_ =	strace $0x80000046;
	[dreg:$0x1] =	wrdreg $0xFFFFFFFF  }
0xa9: {  	s28 =	simm.s32 $_size_execute0_lowered;
	s5 =	sadd.s32 s5, s7;
	[dreg:$0x0] =	wrdreg $0x0  }
0xaa: {  	s7 =	sshll.u32 s28, $0x1;
	[dreg:$0x2] =	wrdreg s5  }
0xab: {  	[dreg:$0x3] =	wrdreg s7  }
0xac: {  	[dreg:$0x4] =	wrdreg $0xC0  }
0xad: {  	_ =	task [dreg:s9], $0x5FFFF  }
0xae: {  	[dreg:$0x1] =	wrdreg $0xFFFFFFFF  }
0xaf: {  	[dreg:$0x0] =	wrdreg $0x60  }
0xb0: {  	[dreg:$0x2] =	wrdreg s24  }
0xb1: {  	[dreg:$0x3] =	wrdreg s2  }
0xb2: {  	[dreg:$0x4] =	wrdreg s18  }
0xb3: {  	[dreg:$0x5] =	wrdreg s4  }
0xb4: {  	[dreg:$0x6] =	wrdreg $0x0  }
0xb5: {  	[dreg:$0x7] =	wrdreg $0x9  }
0xb6: {  	_ =	task.clear_ibuf [dreg:s9], $0x8FFFF;
	_ =	strace $0x90000046  }
0xb7: {  	s29 =	simm.s32 $0x9;
	_ =	strace $0x80000048  }
0xb8: {  	_ =	swait.ge [sflag:s29], $0x1  }
0xb9: {  	[sflag:s29] =	ssyncadd.s32 $0xFFFFFFFF  }
0xba: {  	_ =	strace $0x90000048  }
0xbb: {  	_ =	sfence  }
0xbc: {  	s30 =	sld [smem:$0x0];
	_ =	sdelay $0x2  }
0xbd: {  	s31 =	sshll.u32 s1, $0xD;
	s1 =	sshrl.u32 s1, $0x2  }
0xbe: {  	s3 =	sand.u32 $0x4000, s31;
	s1 =	sadd.s32 s1, s30  }
0xbf: {  	s0 =	sor.u32 s3, s0;
	s1 =	sshll.u32 s1, $0x11  }
0xc0: {  	s0 =	sor.u32 s1, s0  }
0xc1: {  	s0 =	sadd.s32 $0x8F2B, s0  }
0xc2: {  	[sflag:s0] =	ssyncadd.remote.s32 $0x1  }
0xc3: {  	_ =	sfence.sel $0xFFFF  }
0xc4: {  	[dreg:$0x0] =	wrdreg $0xFFFFFFFF;
	(pc) =	sbr.abs _section_cstart, $3  }
0xc5: {  	[dreg:$0x1] =	wrdreg $0xFFFFFFFF  }
0xc6: {  	_ =	task.clear_ibuf [dreg:s9], $0x2FFFF;
	_ =	strace $0x9FFFFFFF  }
0xc7: {  	(tm) =	ssettm $0x7FFFFFFF  }
tec
execute0_lowered:
.L_overlay_start_1:
0x0: {  	(tag) =	ssettag $0x1  }
0x1: {  	s4 =	rddreg [dreg:$0x0]  }
0x2: {  	s5 =	rddreg [dreg:$0x1]  }
0x3: {  	s6 =	rddreg [dreg:$0x2]  }
0x4: {  	s7 =	rddreg [dreg:$0x3]  }
0x5: {  	s2 =	rddreg [dreg:$0x4]  }
0x6: {  	s1 =	stileid.u32;
	s0 =	srdreg.scid  }
0x7: {  	s3 =	simm.s32 $0x0;
	s8 =	smul.u32 $0x1080, s1;
	s0 =	sand.u32 $0x1, s0  }
0x8: {  	[smem:$0x7FF] =	sst s3;
	s9 =	sshll.u32 s1, $0x7;
	s25 =	sshll.u32 s1, $0x6  }
0x9: {  	s10 =	sshll.u32 s0, $0x6;
	_ =	strace $0x80000047;
	s26 =	sor.u32 $0x1C06, s25  }
0xa: {  	s4 =	sadd.s32 s8, s4;
	s24 =	sor.u32 s10, s9;
	[dreg:$0x7] =	wrdreg s26  }
0xb: {  	s4 =	sadd.s32 $0xA00, s4;
	s10 =	smul.u32 $0xC00, s24;
	s22 =	rddreg [dreg:$0x7]  }
0xc: {  	s9 =	sadd.s32 s5, s24;
	[dreg:$0x6] =	wrdreg s4  }
0xd: {  	s6 =	sadd.s32 s6, s24;
	[dreg:$0x8] =	wrdreg s9;
	s11 =	sshrl.u32 s10, $0x3  }
0xe: {  	[dreg:$0x9] =	wrdreg s6;
	s4 =	sadd.s32 s7, s11  }
0xf: {  	s19 =	rddreg [dreg:$0x6];
	s5 =	sadd.s32 $0x80, s4  }
0x10: {  	s12 =	sadd.s32 $0x100, s4;
	[dreg:$0xa] =	wrdreg s5  }
0x11: {  	s13 =	sadd.s32 $0x1800, s4;
	[dreg:$0xb] =	wrdreg s12  }
0x12: {  	s14 =	sadd.s32 $0x1880, s4;
	[dreg:$0xc] =	wrdreg s13  }
0x13: {  	s15 =	sadd.s32 $0x1900, s4;
	[dreg:$0xd] =	wrdreg s14  }
0x14: {  	s18 =	smul.u32 $0x21000, s1;
	s16 =	sadd.s32 $0x3000, s4;
	[dreg:$0xe] =	wrdreg s15  }
0x15: {  	s17 =	sadd.s32 $0x3080, s4;
	[dreg:$0xf] =	wrdreg s16  }
0x16: {  	s20 =	sshrl.u32 s18, $0x2;
	s21 =	sadd.s32 $0x3100, s4;
	[dreg:$0x10] =	wrdreg s17  }
0x17: {  	s23 =	sadd.s32 $0x4800, s4;
	s5 =	sadd.s32 s20, s2;
	[dreg:$0x11] =	wrdreg s21  }
0x18: {  	[dreg:$0x12] =	wrdreg s23;
	s6 =	sshrl.u32 s5, $0x3;
	s5 =	simm.s32 $0x6  }
0x19: {  	[spmem:s6], [sflag:s22] =	dma.local [hbm:s19], $0x1080  }
0x1a: {  	_ =	swait.ge [sflag:s5], $0x1080  }
0x1b: {  	[sflag:s5] =	ssyncset.done $0x0  }
0x1c: {  	s7 =	simm.s32 $0x8400;
	s24 =	rddreg [dreg:$0x8];
	[sflag:s5] =	ssyncadd.s32 $0xFFFFEF80  }
0x1d: {  	[tilespmem:s7], [sflag:$0x6] =	stream.linear.gather [hbm4b:s24+s3], $0x200, $0x38;
	[tilespmem:$0x1C880] =	vst v63  }
0x1e: {  	_ =	swait.ge [sflag:s5], $0x200  }
0x1f: {  	[sflag:s5] =	ssyncset.done $0x0  }
0x20: {  	s8 =	simm.s32 $0x8600;
	s25 =	rddreg [dreg:$0x9];
	[sflag:s5] =	ssyncadd.s32 $0xFFFFFE00  }
0x21: {  	[tilespmem:s8], [sflag:$0x6] =	stream.linear.gather [hbm4b:s25+s3], $0x200, $0x38;
	[tilespmem:$0x1C880] =	vst v63  }
0x22: {  	_ =	swait.ge [sflag:s5], $0x200  }
0x23: {  	[sflag:s5] =	ssyncset.done $0x0  }
0x24: {  	v0 =	vimm.s32 $0x1002;
	[sflag:s5] =	ssyncadd.s32 $0xFFFFFE00  }
0x25: {  	[tilespmem:$0x8870] =	vst v0  }
0x26: {  	[tilespmem:$0x8850] =	vst v0  }
0x27: {  	[tilespmem:$0x8860] =	vst v0  }
0x28: {  	[tilespmem:$0x8840] =	vst v0  }
0x29: {  	[tilespmem:$0x8830] =	vst v0  }
0x2a: {  	[tilespmem:$0x8820] =	vst v0  }
0x2b: {  	[tilespmem:$0x8810] =	vst v0  }
0x2c: {  	s26 =	simm.s32 $0x8800;
	[tilespmem:$0x8800] =	vst v0  }
0x2d: {  	s9 =	simm.s32 $0x80;
	s11 =	simm.s32 $0x8880;
	[bflag:$0x0] =	sbarrier.arrive $0xFFFF  }
0x2e: {  	[tilespmem:s11], [sflag:$0x1] =	stream.indirect.gather [spmem:s2], $0x80, s26, s9, $0xb8;
	[tilespmem:$0x1C880] =	vst v63  }
0x2f: {  	s12 =	simm.s32 $0xC880  }
0x30: {  	[tilespmem:s12], [sflag:$0x2] =	stream.indirect.gather [spmem:s2], $0x80, s7, s9, $0xb8;
	[tilespmem:$0x1C880] =	vst v63  }
0x31: {  	s13 =	simm.s32 $0x14880  }
0x32: {  	[tilespmem:s13], [sflag:$0x4] =	stream.indirect.gather [spmem:s2], $0x80, s8, s9, $0xb8;
	[tilespmem:$0x1C880] =	vst v63  }
0x33: {  	s15 =	simm.s32 $0x8480;
	s16 =	simm.s32 $0x10880  }
0x34: {  	[tilespmem:s16], [sflag:$0x3] =	stream.indirect.gather [spmem:s2], $0x80, s15, s9, $0xb8;
	[tilespmem:$0x1C880] =	vst v63  }
0x35: {  	s17 =	simm.s32 $0x8680;
	s14 =	simm.s32 $0x18880;
	s20 =	simm.s32 $0x1  }
0x36: {  	[tilespmem:s14], [sflag:$0x5] =	stream.indirect.gather [spmem:s2], $0x80, s17, s9, $0xb8;
	[tilespmem:$0x1C880] =	vst v63  }
0x37: {  	_ =	swait.ge [sflag:s20], $0x4000  }
0x38: {  	[sflag:s20] =	ssyncset.done $0x0  }
0x39: {  	s18 =	simm.s32 $0x400;
	s19 =	simm.s32 $0xC00;
	[sflag:s20] =	ssyncadd.s32 $0xFFFFC000  }
0x3a: {  	[hbm4b:s4+s18] =	stream.strided.scatter [tilespmem:s11], [sflag:$0x6], $0x4000, s19, s18, $0x38;
	[tilespmem:$0x1C880] =	vst v63  }
0x3b: {  	_ =	swait.ge [sflag:s5], $0x4000  }
0x3c: {  	[sflag:s5] =	ssyncset.done $0x0  }
0x3d: {  	s21 =	simm.s32 $0x2;
	[sflag:s5] =	ssyncadd.s32 $0xFFFFC000  }
0x3e: {  	_ =	swait.ge [sflag:s21], $0x4000  }
0x3f: {  	[sflag:s21] =	ssyncset.done $0x0  }
0x40: {  	s22 =	rddreg [dreg:$0xa];
	[sflag:s21] =	ssyncadd.s32 $0xFFFFC000  }
0x41: {  	[hbm4b:s22+s18] =	stream.strided.scatter [tilespmem:s12], [sflag:$0x6], $0x4000, s19, s18, $0x38;
	[tilespmem:$0x1C880] =	vst v63  }
0x42: {  	_ =	swait.ge [sflag:s5], $0x4000  }
0x43: {  	[sflag:s5] =	ssyncset.done $0x0  }
0x44: {  	s22 =	simm.s32 $0x4;
	[sflag:s5] =	ssyncadd.s32 $0xFFFFC000  }
0x45: {  	_ =	swait.ge [sflag:s22], $0x4000  }
0x46: {  	[sflag:s22] =	ssyncset.done $0x0  }
0x47: {  	s23 =	rddreg [dreg:$0xb];
	[sflag:s22] =	ssyncadd.s32 $0xFFFFC000  }
0x48: {  	[hbm4b:s23+s18] =	stream.strided.scatter [tilespmem:s13], [sflag:$0x6], $0x4000, s19, s18, $0x38;
	[tilespmem:$0x1C880] =	vst v63  }
0x49: {  	_ =	swait.ge [sflag:s5], $0x4000  }
0x4a: {  	[sflag:s5] =	ssyncset.done $0x0  }
0x4b: {  	s23 =	simm.s32 $0x8500;
	[sflag:s5] =	ssyncadd.s32 $0xFFFFC000  }
0x4c: {  	[tilespmem:s12], [sflag:$0x2] =	stream.indirect.gather [spmem:s2], $0x80, s23, s9, $0xb8;
	[tilespmem:$0x1C880] =	vst v63  }
0x4d: {  	s24 =	simm.s32 $0x8700  }
0x4e: {  	[tilespmem:s13], [sflag:$0x4] =	stream.indirect.gather [spmem:s2], $0x80, s24, s9, $0xb8;
	[tilespmem:$0x1C880] =	vst v63  }
0x4f: {  	s25 =	rddreg [dreg:$0xc]  }
0x50: {  	[hbm4b:s25+s18] =	stream.strided.scatter [tilespmem:s11], [sflag:$0x6], $0x4000, s19, s18, $0x38;
	[tilespmem:$0x1C880] =	vst v63  }
0x51: {  	_ =	swait.ge [sflag:s5], $0x4000  }
0x52: {  	[sflag:s5] =	ssyncset.done $0x0  }
0x53: {  	s25 =	simm.s32 $0x3;
	[sflag:s5] =	ssyncadd.s32 $0xFFFFC000  }
0x54: {  	_ =	swait.ge [sflag:s25], $0x4000  }
0x55: {  	[sflag:s25] =	ssyncset.done $0x0  }
0x56: {  	s26 =	rddreg [dreg:$0xd];
	[sflag:s25] =	ssyncadd.s32 $0xFFFFC000  }
0x57: {  	[hbm4b:s26+s18] =	stream.strided.scatter [tilespmem:s16], [sflag:$0x6], $0x4000, s19, s18, $0x38;
	[tilespmem:$0x1C880] =	vst v63  }
0x58: {  	_ =	swait.ge [sflag:s5], $0x4000  }
0x59: {  	[sflag:s5] =	ssyncset.done $0x0  }
0x5a: {  	s26 =	simm.s32 $0x5;
	[sflag:s5] =	ssyncadd.s32 $0xFFFFC000  }
0x5b: {  	_ =	swait.ge [sflag:s26], $0x4000  }
0x5c: {  	[sflag:s26] =	ssyncset.done $0x0  }
0x5d: {  	s28 =	rddreg [dreg:$0xe];
	[sflag:s26] =	ssyncadd.s32 $0xFFFFC000  }
0x5e: {  	[hbm4b:s28+s18] =	stream.strided.scatter [tilespmem:s14], [sflag:$0x6], $0x4000, s19, s18, $0x38;
	[tilespmem:$0x1C880] =	vst v63  }
0x5f: {  	_ =	swait.ge [sflag:s5], $0x4000  }
0x60: {  	[sflag:s5] =	ssyncset.done $0x0  }
0x61: {  	s28 =	simm.s32 $0x8580;
	[sflag:s5] =	ssyncadd.s32 $0xFFFFC000  }
0x62: {  	[tilespmem:s16], [sflag:$0x3] =	stream.indirect.gather [spmem:s2], $0x80, s28, s9, $0xb8;
	[tilespmem:$0x1C880] =	vst v63  }
0x63: {  	s29 =	simm.s32 $0x8780  }
0x64: {  	[tilespmem:s14], [sflag:$0x5] =	stream.indirect.gather [spmem:s2], $0x80, s29, s9, $0xb8;
	[tilespmem:$0x1C880] =	vst v63  }
0x65: {  	s30 =	rddreg [dreg:$0xf]  }
0x66: {  	[hbm4b:s30+s18] =	stream.strided.scatter [tilespmem:s11], [sflag:$0x6], $0x4000, s19, s18, $0x38;
	[tilespmem:$0x1C880] =	vst v63  }
0x67: {  	_ =	swait.ge [sflag:s5], $0x4000  }
0x68: {  	[sflag:s5] =	ssyncset.done $0x0  }
0x69: {  	[sflag:s5] =	ssyncadd.s32 $0xFFFFC000  }
0x6a: {  	_ =	swait.ge [sflag:s21], $0x4000  }
0x6b: {  	[sflag:s21] =	ssyncset.done $0x0  }
0x6c: {  	s30 =	rddreg [dreg:$0x10];
	[sflag:s21] =	ssyncadd.s32 $0xFFFFC000  }
0x6d: {  	[hbm4b:s30+s18] =	stream.strided.scatter [tilespmem:s12], [sflag:$0x6], $0x4000, s19, s18, $0x38;
	[tilespmem:$0x1C880] =	vst v63  }
0x6e: {  	_ =	swait.ge [sflag:s5], $0x4000  }
0x6f: {  	[sflag:s5] =	ssyncset.done $0x0  }
0x70: {  	[sflag:s5] =	ssyncadd.s32 $0xFFFFC000  }
0x71: {  	_ =	swait.ge [sflag:s22], $0x4000  }
0x72: {  	[sflag:s22] =	ssyncset.done $0x0  }
0x73: {  	s30 =	rddreg [dreg:$0x11];
	[sflag:s22] =	ssyncadd.s32 $0xFFFFC000  }
0x74: {  	[hbm4b:s30+s18] =	stream.strided.scatter [tilespmem:s13], [sflag:$0x6], $0x4000, s19, s18, $0x38;
	[tilespmem:$0x1C880] =	vst v63  }
0x75: {  	_ =	swait.ge [sflag:s5], $0x4000  }
0x76: {  	[sflag:s5] =	ssyncset.done $0x0  }
0x77: {  	s0 =	ssub.s32 $0x2, s0;
	s30 =	rddreg [dreg:$0x12];
	[sflag:s5] =	ssyncadd.s32 $0xFFFFC000  }
0x78: {  	[hbm4b:s30+s18] =	stream.strided.scatter [tilespmem:s11], [sflag:$0x6], $0x4000, s19, s18, $0x38;
	[tilespmem:$0x1C880] =	vst v63  }
0x79: {  	s30 =	sshrl.u32 s0, $0x1;
	_ =	swait.ge [sflag:s5], $0x4000  }
0x7a: {  	s0 =	ssub.s32 s0, s30;
	[sflag:s5] =	ssyncset.done $0x0  }
0x7b: {  	s0 =	smax.u32 s0, $0x1;
	[sflag:s5] =	ssyncadd.s32 $0xFFFFC000  }
0x7c: {  	p0 =	sne.s32 s0, $0x1;
	_ =	swait.ge [sflag:s25], $0x4000  }
.Ltmp0:
0x7d: {  	[sflag:s25] =	ssyncset.done $0x0;
	(pc) =	sbr.rel @!p0 .LBB2_2-.Ltmp0, $4  }
0x7e: {  	s30 =	sadd.s32 $0x4880, s4;
	[sflag:s25] =	ssyncadd.s32 $0xFFFFC000  }
0x7f: {  	[hbm4b:s30+s18] =	stream.strided.scatter [tilespmem:s16], [sflag:$0x6], $0x4000, s19, s18, $0x38;
	[tilespmem:$0x1C880] =	vst v63  }
0x80: {  	_ =	swait.ge [sflag:s5], $0x4000  }
0x81: {  	s31 =	sadd.s32 $0x4900, s4;
	s0 =	sadd.s32 $0xFFFFFFFF, s0;
	[sflag:s5] =	ssyncset.done $0x0  }
.LBB2_1:
0x82: {  	[sflag:s5] =	ssyncadd.s32 $0xFFFFC000  }
0x83: {  	_ =	swait.ge [sflag:s26], $0x4000  }
0x84: {  	[sflag:s26] =	ssyncset.done $0x0  }
0x85: {  	[sflag:s26] =	ssyncadd.s32 $0xFFFFC000  }
0x86: {  	[hbm4b:s31+s18] =	stream.strided.scatter [tilespmem:s14], [sflag:$0x6], $0x4000, s19, s18, $0x38;
	[tilespmem:$0x1C880] =	vst v63  }
0x87: {  	_ =	swait.ge [sflag:s5], $0x4000  }
0x88: {  	s1 =	rddreg [dreg:$0x6];
	[sflag:s5] =	ssyncset.done $0x0  }
0x89: {  	s10 =	rddreg [dreg:$0x7];
	[sflag:s5] =	ssyncadd.s32 $0xFFFFC000  }
0x8a: {  	[spmem:s6], [sflag:s10] =	dma.local [hbm:s1], $0x1080  }
0x8b: {  	_ =	swait.ge [sflag:s5], $0x1080  }
0x8c: {  	[sflag:s5] =	ssyncset.done $0x0  }
0x8d: {  	s10 =	rddreg [dreg:$0x8];
	[sflag:s5] =	ssyncadd.s32 $0xFFFFEF80  }
0x8e: {  	[tilespmem:s7], [sflag:$0x6] =	stream.linear.gather [hbm4b:s10+s3], $0x200, $0x38;
	[tilespmem:$0x1C880] =	vst v63  }
0x8f: {  	_ =	swait.ge [sflag:s5], $0x200  }
0x90: {  	[sflag:s5] =	ssyncset.done $0x0  }
0x91: {  	s10 =	rddreg [dreg:$0x9];
	[sflag:s5] =	ssyncadd.s32 $0xFFFFFE00  }
0x92: {  	[tilespmem:s8], [sflag:$0x6] =	stream.linear.gather [hbm4b:s10+s3], $0x200, $0x38;
	[tilespmem:$0x1C880] =	vst v63  }
0x93: {  	_ =	swait.ge [sflag:s5], $0x200  }
0x94: {  	[sflag:s5] =	ssyncset.done $0x0  }
0x95: {  	[sflag:s5] =	ssyncadd.s32 $0xFFFFFE00  }
0x96: {  	[tilespmem:$0x8870] =	vst v0  }
0x97: {  	[tilespmem:$0x8850] =	vst v0  }
0x98: {  	[tilespmem:$0x8860] =	vst v0  }
0x99: {  	[tilespmem:$0x8840] =	vst v0  }
0x9a: {  	[tilespmem:$0x8830] =	vst v0  }
0x9b: {  	[tilespmem:$0x8820] =	vst v0  }
0x9c: {  	[tilespmem:$0x8810] =	vst v0  }
0x9d: {  	[tilespmem:$0x8800] =	vst v0  }
0x9e: {  	s10 =	simm.s32 $0x8800;
	[bflag:$0x0] =	sbarrier.arrive $0xFFFF  }
0x9f: {  	[tilespmem:s11], [sflag:$0x1] =	stream.indirect.gather [spmem:s2], $0x80, s10, s9, $0xb8;
	[tilespmem:$0x1C880] =	vst v63  }
0xa0: {  	_ = 	snop  }
0xa1: {  	[tilespmem:s12], [sflag:$0x2] =	stream.indirect.gather [spmem:s2], $0x80, s7, s9, $0xb8;
	[tilespmem:$0x1C880] =	vst v63  }
0xa2: {  	_ = 	snop  }
0xa3: {  	[tilespmem:s13], [sflag:$0x4] =	stream.indirect.gather [spmem:s2], $0x80, s8, s9, $0xb8;
	[tilespmem:$0x1C880] =	vst v63  }
0xa4: {  	_ = 	snop  }
0xa5: {  	[tilespmem:s16], [sflag:$0x3] =	stream.indirect.gather [spmem:s2], $0x80, s15, s9, $0xb8;
	[tilespmem:$0x1C880] =	vst v63  }
0xa6: {  	_ = 	snop  }
0xa7: {  	[tilespmem:s14], [sflag:$0x5] =	stream.indirect.gather [spmem:s2], $0x80, s17, s9, $0xb8;
	[tilespmem:$0x1C880] =	vst v63  }
0xa8: {  	_ =	swait.ge [sflag:s20], $0x4000  }
0xa9: {  	[sflag:s20] =	ssyncset.done $0x0  }
0xaa: {  	[sflag:s20] =	ssyncadd.s32 $0xFFFFC000  }
0xab: {  	[hbm4b:s4+s18] =	stream.strided.scatter [tilespmem:s11], [sflag:$0x6], $0x4000, s19, s18, $0x38;
	[tilespmem:$0x1C880] =	vst v63  }
0xac: {  	_ =	swait.ge [sflag:s5], $0x4000  }
0xad: {  	[sflag:s5] =	ssyncset.done $0x0  }
0xae: {  	[sflag:s5] =	ssyncadd.s32 $0xFFFFC000  }
0xaf: {  	_ =	swait.ge [sflag:s21], $0x4000  }
0xb0: {  	[sflag:s21] =	ssyncset.done $0x0  }
0xb1: {  	s10 =	rddreg [dreg:$0xa];
	[sflag:s21] =	ssyncadd.s32 $0xFFFFC000  }
0xb2: {  	[hbm4b:s10+s18] =	stream.strided.scatter [tilespmem:s12], [sflag:$0x6], $0x4000, s19, s18, $0x38;
	[tilespmem:$0x1C880] =	vst v63  }
0xb3: {  	_ =	swait.ge [sflag:s5], $0x4000  }
0xb4: {  	[sflag:s5] =	ssyncset.done $0x0  }
0xb5: {  	[sflag:s5] =	ssyncadd.s32 $0xFFFFC000  }
0xb6: {  	_ =	swait.ge [sflag:s22], $0x4000  }
0xb7: {  	[sflag:s22] =	ssyncset.done $0x0  }
0xb8: {  	s10 =	rddreg [dreg:$0xb];
	[sflag:s22] =	ssyncadd.s32 $0xFFFFC000  }
0xb9: {  	[hbm4b:s10+s18] =	stream.strided.scatter [tilespmem:s13], [sflag:$0x6], $0x4000, s19, s18, $0x38;
	[tilespmem:$0x1C880] =	vst v63  }
0xba: {  	_ =	swait.ge [sflag:s5], $0x4000  }
0xbb: {  	[sflag:s5] =	ssyncset.done $0x0  }
0xbc: {  	[sflag:s5] =	ssyncadd.s32 $0xFFFFC000  }
0xbd: {  	[tilespmem:s12], [sflag:$0x2] =	stream.indirect.gather [spmem:s2], $0x80, s23, s9, $0xb8;
	[tilespmem:$0x1C880] =	vst v63  }
0xbe: {  	_ = 	snop  }
0xbf: {  	[tilespmem:s13], [sflag:$0x4] =	stream.indirect.gather [spmem:s2], $0x80, s24, s9, $0xb8;
	[tilespmem:$0x1C880] =	vst v63  }
0xc0: {  	s10 =	rddreg [dreg:$0xc]  }
0xc1: {  	[hbm4b:s10+s18] =	stream.strided.scatter [tilespmem:s11], [sflag:$0x6], $0x4000, s19, s18, $0x38;
	[tilespmem:$0x1C880] =	vst v63  }
0xc2: {  	_ =	swait.ge [sflag:s5], $0x4000  }
0xc3: {  	[sflag:s5] =	ssyncset.done $0x0  }
0xc4: {  	[sflag:s5] =	ssyncadd.s32 $0xFFFFC000  }
0xc5: {  	_ =	swait.ge [sflag:s25], $0x4000  }
0xc6: {  	[sflag:s25] =	ssyncset.done $0x0  }
0xc7: {  	s10 =	rddreg [dreg:$0xd];
	[sflag:s25] =	ssyncadd.s32 $0xFFFFC000  }
0xc8: {  	[hbm4b:s10+s18] =	stream.strided.scatter [tilespmem:s16], [sflag:$0x6], $0x4000, s19, s18, $0x38;
	[tilespmem:$0x1C880] =	vst v63  }
0xc9: {  	_ =	swait.ge [sflag:s5], $0x4000  }
0xca: {  	[sflag:s5] =	ssyncset.done $0x0  }
0xcb: {  	[sflag:s5] =	ssyncadd.s32 $0xFFFFC000  }
0xcc: {  	_ =	swait.ge [sflag:s26], $0x4000  }
0xcd: {  	[sflag:s26] =	ssyncset.done $0x0  }
0xce: {  	s10 =	rddreg [dreg:$0xe];
	[sflag:s26] =	ssyncadd.s32 $0xFFFFC000  }
0xcf: {  	[hbm4b:s10+s18] =	stream.strided.scatter [tilespmem:s14], [sflag:$0x6], $0x4000, s19, s18, $0x38;
	[tilespmem:$0x1C880] =	vst v63  }
0xd0: {  	_ =	swait.ge [sflag:s5], $0x4000  }
0xd1: {  	[sflag:s5] =	ssyncset.done $0x0  }
0xd2: {  	[sflag:s5] =	ssyncadd.s32 $0xFFFFC000  }
0xd3: {  	[tilespmem:s16], [sflag:$0x3] =	stream.indirect.gather [spmem:s2], $0x80, s28, s9, $0xb8;
	[tilespmem:$0x1C880] =	vst v63  }
0xd4: {  	_ = 	snop  }
0xd5: {  	[tilespmem:s14], [sflag:$0x5] =	stream.indirect.gather [spmem:s2], $0x80, s29, s9, $0xb8;
	[tilespmem:$0x1C880] =	vst v63  }
0xd6: {  	s10 =	rddreg [dreg:$0xf]  }
0xd7: {  	[hbm4b:s10+s18] =	stream.strided.scatter [tilespmem:s11], [sflag:$0x6], $0x4000, s19, s18, $0x38;
	[tilespmem:$0x1C880] =	vst v63  }
0xd8: {  	_ =	swait.ge [sflag:s5], $0x4000  }
0xd9: {  	[sflag:s5] =	ssyncset.done $0x0  }
0xda: {  	[sflag:s5] =	ssyncadd.s32 $0xFFFFC000  }
0xdb: {  	_ =	swait.ge [sflag:s21], $0x4000  }
0xdc: {  	[sflag:s21] =	ssyncset.done $0x0  }
0xdd: {  	s10 =	rddreg [dreg:$0x10];
	[sflag:s21] =	ssyncadd.s32 $0xFFFFC000  }
0xde: {  	[hbm4b:s10+s18] =	stream.strided.scatter [tilespmem:s12], [sflag:$0x6], $0x4000, s19, s18, $0x38;
	[tilespmem:$0x1C880] =	vst v63  }
0xdf: {  	_ =	swait.ge [sflag:s5], $0x4000  }
0xe0: {  	[sflag:s5] =	ssyncset.done $0x0  }
0xe1: {  	[sflag:s5] =	ssyncadd.s32 $0xFFFFC000  }
0xe2: {  	_ =	swait.ge [sflag:s22], $0x4000  }
0xe3: {  	[sflag:s22] =	ssyncset.done $0x0  }
0xe4: {  	s10 =	rddreg [dreg:$0x11];
	[sflag:s22] =	ssyncadd.s32 $0xFFFFC000  }
0xe5: {  	[hbm4b:s10+s18] =	stream.strided.scatter [tilespmem:s13], [sflag:$0x6], $0x4000, s19, s18, $0x38;
	[tilespmem:$0x1C880] =	vst v63  }
0xe6: {  	_ =	swait.ge [sflag:s5], $0x4000  }
0xe7: {  	[sflag:s5] =	ssyncset.done $0x0  }
0xe8: {  	s10 =	rddreg [dreg:$0x12];
	[sflag:s5] =	ssyncadd.s32 $0xFFFFC000  }
0xe9: {  	[hbm4b:s10+s18] =	stream.strided.scatter [tilespmem:s11], [sflag:$0x6], $0x4000, s19, s18, $0x38;
	[tilespmem:$0x1C880] =	vst v63  }
0xea: {  	_ =	swait.ge [sflag:s5], $0x4000  }
0xeb: {  	[sflag:s5] =	ssyncset.done $0x0  }
0xec: {  	[sflag:s5] =	ssyncadd.s32 $0xFFFFC000  }
0xed: {  	p0 =	sne.s32 s0, $0x1;
	_ =	swait.ge [sflag:s25], $0x4000  }
.Ltmp1:
0xee: {  	[sflag:s25] =	ssyncset.done $0x0;
	(pc) =	sbr.rel @p0 .LBB2_1-.Ltmp1, $4  }
0xef: {  	[sflag:s25] =	ssyncadd.s32 $0xFFFFC000  }
0xf0: {  	[hbm4b:s30+s18] =	stream.strided.scatter [tilespmem:s16], [sflag:$0x6], $0x4000, s19, s18, $0x38;
	[tilespmem:$0x1C880] =	vst v63  }
0xf1: {  	_ =	swait.ge [sflag:s5], $0x4000  }
0xf2: {  	s0 =	sadd.s32 $0xFFFFFFFF, s0;
	[sflag:s5] =	ssyncset.done $0x0  }
.LBB2_2:
0xf3: {  	[sflag:s5] =	ssyncadd.s32 $0xFFFFC000  }
0xf4: {  	_ =	swait.ge [sflag:s26], $0x4000  }
0xf5: {  	[sflag:s26] =	ssyncset.done $0x0  }
0xf6: {  	[sflag:s26] =	ssyncadd.s32 $0xFFFFC000  }
0xf7: {  	[hbm4b:s31+s18] =	stream.strided.scatter [tilespmem:s14], [sflag:$0x6], $0x4000, s19, s18, $0x38;
	[tilespmem:$0x1C880] =	vst v63  }
0xf8: {  	_ =	swait.ge [sflag:s5], $0x4000  }
0xf9: {  	[sflag:s5] =	ssyncset.done $0x0  }
0xfa: {  	[sflag:s5] =	ssyncadd.s32 $0xFFFFC000  }
0xfb: {  	_ =	sfence.sel $0x180000  }
0xfc: {  	[bflag:$0x0] =	sbarrier.arrive $0xFFFF  }
0xfd: {  	_ =	strace $0x90000047  }
0xfe: {  	s0 =	stileid.u32;
	[bflag:$0x2] =	sbarrier.arrive $0xFFFF  }
0xff: {  	p0 =	sne.s32 s0, $0x0;
	s0 =	rddreg [dreg:$0x5]  }
0x100: {  	s0 =	sadd.s32 @!p0 $0x100000, s0  }
0x101: {  	[sflag:s0] =	ssyncadd.tile.s32 @!p0 $0x1;
	_ =	shalt  }
.Lfunc_end2:
_tile_overlayer_lowered:
.L_overlay_start_2:
0x102: {  	(tag) =	ssettag $0x2  }
0x103: {  	s0 =	rddreg [dreg:$0x0];
	s2 =	stileid.u32  }
0x104: {  	s1 =	rddreg [dreg:$0x1];
	p0 =	sne.s32 s2, $0x0  }
0x105: {  	s3 =	rddreg [dreg:$0x2];
	[bflag:$0x3] =	sbarrier.arrive $0xFFFF;
	s2 =	simm.s32 @!p0 $0x1C06  }
0x106: {  	[timem:s3], [sflag:s2] =	dma.local @!p0 [hbm:s0], s1  }
0x107: {  	s0 =	simm.s32 @!p0 $0x6  }
0x108: {  	_ =	swait.ge @!p0 [sflag:s0], s1  }
0x109: {  	s1 =	ssub.s32 @!p0 $0x0, s1;
	[sflag:s0] =	ssyncset.done @!p0 $0x0  }
0x10a: {  	[sflag:s0] =	ssyncadd.s32 @!p0 s1  }
0x10b: {  	[bflag:$0x3] =	sbarrier.arrive $0xFFFF  }
0x10c: {  	_ =	shalt  }

</sc_bundles>
